<compile_context>
chip_gen: v7x
topology: tpu7x:2x2x1
jax: 0.10.2.dev20260603
libtpu: 0.0.44.dev20260713+nightly
codegen_flags: <defaults>
</compile_context>

<pallas_src>
import jax
import jax.numpy as jnp
from jax import lax
from jax.experimental import pallas as pl
from jax.experimental.pallas import tpu as pltpu
from jax.experimental.pallas import tpu_sc as plsc

N = 100000
D = 128
S = 512
NC = 2
NS = 16
NW = NC * NS
CHUNK = 128
TOT_CHUNKS = 800
CPW = TOT_CHUNKS // NW
FULL_CHUNKS = N // CHUNK
REM = N - FULL_CHUNKS * CHUNK


def _seg_sum_body(x_hbm, ids_hbm, sums_hbm, cnts_hbm, xout_hbm,
                  idx_v, buf_a, buf_b, ones_v, acc_sh, cnt_sh,
                  sem_a, sem_b, sem_wa, sem_wb, sem_sa, sem_sb, sem_c):
    cid = lax.axis_index("c")
    sid = lax.axis_index("s")
    w = sid * NC + cid

    zvec = jnp.zeros((16,), jnp.float32)
    onevec = jnp.ones((16,), jnp.float32)

    @pl.loop(0, 33)
    def _(r):
        for k in range(D // 16):
            buf_a[r, pl.ds(16 * k, 16)] = zvec

    @pl.loop(0, CHUNK)
    def _(r):
        for k in range(D // 16):
            ones_v[r, pl.ds(16 * k, 16)] = onevec

    pltpu.sync_copy(buf_a.at[pl.ds(0, 32)], acc_sh.at[pl.ds(32 * sid, 32)])
    pltpu.sync_copy(buf_a.at[pl.ds(0, 32)], cnt_sh.at[pl.ds(32 * sid, 32)])

    @pl.when(sid == 0)
    def _():
        pltpu.sync_copy(buf_a.at[pl.ds(0, 1)], acc_sh.at[pl.ds(S, 1)])
        pltpu.sync_copy(buf_a.at[pl.ds(0, 1)], cnt_sh.at[pl.ds(S, 1)])

    pltpu.sync_copy(ids_hbm.at[w], idx_v)

    plsc.subcore_barrier()

    def start_load(jl, buf, sem):
        c = w * CPW + jl
        row0 = c * CHUNK

        @pl.when((jl < CPW) & (c < FULL_CHUNKS))
        def _():
            pltpu.make_async_copy(x_hbm.at[pl.ds(row0, CHUNK)], buf, sem).start()

        @pl.when((jl < CPW) & (c == FULL_CHUNKS))
        def _():
            pltpu.make_async_copy(
                x_hbm.at[pl.ds(row0, REM)], buf.at[pl.ds(0, REM)], sem).start()

    def wait_load(jl, buf, sem):
        c = w * CPW + jl

        @pl.when((jl < CPW) & (c < FULL_CHUNKS))
        def _():
            pltpu.make_async_copy(x_hbm.at[pl.ds(0, CHUNK)], buf, sem).wait()

        @pl.when((jl < CPW) & (c == FULL_CHUNKS))
        def _():
            pltpu.make_async_copy(
                x_hbm.at[pl.ds(0, REM)], buf.at[pl.ds(0, REM)], sem).wait()

    def start_scat(jl, buf, sem):
        c = w * CPW + jl

        @pl.when((jl < CPW) & (c <= FULL_CHUNKS))
        def _():
            pltpu.async_copy(buf, acc_sh.at[idx_v.at[jl]], sem, add=True)

    def wait_scat(jl, buf, sem):
        c = w * CPW + jl

        @pl.when((jl < CPW) & (c <= FULL_CHUNKS))
        def _():
            pltpu.make_async_copy(buf, acc_sh.at[idx_v.at[jl]], sem).wait()

    def start_cnt(jl, sem):
        c = w * CPW + jl

        @pl.when((jl < CPW) & (c <= FULL_CHUNKS))
        def _():
            pltpu.async_copy(ones_v, cnt_sh.at[idx_v.at[jl]], sem, add=True)

    def wait_cnt(jl, sem):
        c = w * CPW + jl

        @pl.when((jl < CPW) & (c <= FULL_CHUNKS))
        def _():
            pltpu.make_async_copy(ones_v, cnt_sh.at[idx_v.at[jl]], sem).wait()

    def start_write(jl, buf, sem):
        c = w * CPW + jl
        row0 = c * CHUNK

        @pl.when((jl < CPW) & (c < FULL_CHUNKS))
        def _():
            pltpu.make_async_copy(buf, xout_hbm.at[pl.ds(row0, CHUNK)], sem).start()

        @pl.when((jl < CPW) & (c == FULL_CHUNKS))
        def _():
            pltpu.make_async_copy(
                buf.at[pl.ds(0, REM)], xout_hbm.at[pl.ds(row0, REM)], sem).start()

    def wait_write(jl, buf, sem):
        c = w * CPW + jl

        @pl.when((jl < CPW) & (c < FULL_CHUNKS))
        def _():
            pltpu.make_async_copy(buf, xout_hbm.at[pl.ds(0, CHUNK)], sem).wait()

        @pl.when((jl < CPW) & (c == FULL_CHUNKS))
        def _():
            pltpu.make_async_copy(
                buf.at[pl.ds(0, REM)], xout_hbm.at[pl.ds(0, REM)], sem).wait()

    start_load(0, buf_a, sem_a)
    start_load(1, buf_b, sem_b)

    @pl.loop(0, CPW + 1, step=2)
    def _(j):
        wait_load(j, buf_a, sem_a)
        start_write(j, buf_a, sem_wa)
        start_scat(j, buf_a, sem_sa)
        start_cnt(j, sem_c)
        wait_load(j + 1, buf_b, sem_b)
        start_write(j + 1, buf_b, sem_wb)
        start_scat(j + 1, buf_b, sem_sb)
        start_cnt(j + 1, sem_c)
        wait_write(j, buf_a, sem_wa)
        wait_scat(j, buf_a, sem_sa)
        start_load(j + 2, buf_a, sem_a)
        wait_write(j + 1, buf_b, sem_wb)
        wait_scat(j + 1, buf_b, sem_sb)
        start_load(j + 3, buf_b, sem_b)

    @pl.loop(0, CPW)
    def _(j):
        wait_cnt(j, sem_c)

    plsc.subcore_barrier()

    pltpu.sync_copy(acc_sh.at[pl.ds(32 * sid, 32)],
                    sums_hbm.at[cid, pl.ds(32 * sid, 32)])
    pltpu.sync_copy(cnt_sh.at[pl.ds(32 * sid, 32)],
                    cnts_hbm.at[cid, pl.ds(32 * sid, 32)])


@jax.jit
def _seg_sum(x, ids3d):
    return pl.kernel(
        _seg_sum_body,
        out_type=[
            jax.ShapeDtypeStruct((NC, S, D), jnp.float32),
            jax.ShapeDtypeStruct((NC, S, D), jnp.float32),
            jax.ShapeDtypeStruct((N, D), jnp.float32),
        ],
        mesh=plsc.VectorSubcoreMesh(
            core_axis_name="c", subcore_axis_name="s",
            num_cores=NC, num_subcores=NS),
        scratch_types=[
            pltpu.VMEM((CPW, CHUNK), jnp.int32),
            pltpu.VMEM((CHUNK, D), jnp.float32),
            pltpu.VMEM((CHUNK, D), jnp.float32),
            pltpu.VMEM((CHUNK, D), jnp.float32),
            pltpu.VMEM_SHARED((S + 1, D), jnp.float32),
            pltpu.VMEM_SHARED((S + 1, D), jnp.float32),
            pltpu.SemaphoreType.DMA,
            pltpu.SemaphoreType.DMA,
            pltpu.SemaphoreType.DMA,
            pltpu.SemaphoreType.DMA,
            pltpu.SemaphoreType.DMA,
            pltpu.SemaphoreType.DMA,
            pltpu.SemaphoreType.DMA,
        ],
    )(x, ids3d)


def _combine_body(sums_ref, cnts_ref, out_ref):
    s = sums_ref[0] + sums_ref[1]
    c = cnts_ref[0, :, 0:1] + cnts_ref[1, :, 0:1]
    out_ref[...] = s / jnp.maximum(c, 1.0)


@jax.jit
def _combine(sums, cnts):
    return pl.pallas_call(
        _combine_body,
        out_shape=jax.ShapeDtypeStruct((S, D), jnp.float32),
    )(sums, cnts)


def kernel(t0, t1, t2, t3, t4, t5, t6):
    ids = t4.astype(jnp.int32)
    pad = jnp.full((TOT_CHUNKS * CHUNK - N,), S, dtype=jnp.int32)
    ids3d = jnp.concatenate([ids, pad]).reshape(NW, CPW, CHUNK)
    sums, cnts, x_out = _seg_sum(t0, ids3d)
    x_graph = _combine(sums, cnts)
    return (x_out, t1, t2, t3, t4, x_graph, t6)

# --- scband reference (transcript-rebuilt; emitter-appended) ---
"""Pipeline reference for scband-global-mean-pipe-33062658245097 (READ-ONLY COPY).

The authoritative reference and input builder live on the scoring server;
editing this copy changes nothing except your own understanding.
"""

import jax, jax.numpy as jnp
import numpy as np

N = 100000
D = 128
NUM_SEGMENTS = 512

def setup_inputs(seed: int = 0) -> dict:
    key = jax.random.key(seed)
    k0, k4 = jax.random.split(key)
    t0 = jax.random.normal(k0, (N, D), dtype=jnp.float32)
    t1 = jnp.zeros((1,), dtype=jnp.float32)
    t2 = jnp.zeros((1,), dtype=jnp.float32)
    t3 = jnp.zeros((1,), dtype=jnp.float32)
    t4 = jnp.sort(jax.random.randint(k4, (N,), 0, NUM_SEGMENTS, dtype=jnp.int32)).astype(jnp.int64)
    t5 = jnp.zeros((1,), dtype=jnp.float32)
    t6 = jnp.zeros((1,), dtype=jnp.float32)
    return {"t0": t0, "t1": t1, "t2": t2, "t3": t3, "t4": t4, "t5": t5, "t6": t6}

def _global_mean_pool(x, batch, num_segments):
    sums = jax.ops.segment_sum(x, batch, num_segments=num_segments)
    counts = jax.ops.segment_sum(jnp.ones((x.shape[0],), dtype=x.dtype), batch, num_segments=num_segments)
    return sums / jnp.clip(counts, 1.0)[:, None]

def reference(t0, t1, t2, t3, t4, t5, t6):
    # GlobalMeanPipe.forward: x_graph = global_mean_pool(input_tuple[0], input_tuple[4])
    # return input_tuple[:5] + (x_graph,) + input_tuple[6:]
    x_graph = _global_mean_pool(t0, t4, NUM_SEGMENTS)
    return (t0, t1, t2, t3, t4, x_graph, t6)

if __name__ == "__main__":
    import jax
    _d = setup_inputs()
    print(jax.jit(kernel)(*tuple(_d.values())))

</pallas_src>

<mosaic_0001>
#map = affine_map<(d0, d1) -> (0, 0)>
#map1 = affine_map<(d0, d1) -> (0, 0, 0)>
module attributes {stable_mosaic.version = 14 : i64} {
  func.func @_seg_sum_body(%arg0: i32, %arg1: i32, %arg2: memref<100000x128xf32, #tpu.memory_space<hbm>>, %arg3: memref<32x25x128xi32, #tpu.memory_space<hbm>>, %arg4: memref<2x512x128xf32, #tpu.memory_space<hbm>>, %arg5: memref<2x512x128xf32, #tpu.memory_space<hbm>>, %arg6: memref<100000x128xf32, #tpu.memory_space<hbm>>, %arg7: memref<25x128xi32, #tpu.memory_space<vmem>>, %arg8: memref<128x128xf32, #tpu.memory_space<vmem>>, %arg9: memref<128x128xf32, #tpu.memory_space<vmem>>, %arg10: memref<128x128xf32, #tpu.memory_space<vmem>>, %arg11: memref<513x128xf32, #tpu.memory_space<vmem_shared>>, %arg12: memref<513x128xf32, #tpu.memory_space<vmem_shared>>, %arg13: memref<!tpu.dma_semaphore, #tpu.memory_space<semaphore_mem>>, %arg14: memref<!tpu.dma_semaphore, #tpu.memory_space<semaphore_mem>>, %arg15: memref<!tpu.dma_semaphore, #tpu.memory_space<semaphore_mem>>, %arg16: memref<!tpu.dma_semaphore, #tpu.memory_space<semaphore_mem>>, %arg17: memref<!tpu.dma_semaphore, #tpu.memory_space<semaphore_mem>>, %arg18: memref<!tpu.dma_semaphore, #tpu.memory_space<semaphore_mem>>, %arg19: memref<!tpu.dma_semaphore, #tpu.memory_space<semaphore_mem>>) attributes {dimension_semantics = [#tpu.dimension_semantics<core_parallel>, #tpu.dimension_semantics<subcore_parallel>], iteration_bounds = array<i64: 2, 16>, scalar_prefetch = 0 : i64, scratch_operands = 13 : i64, tpu.core_type = #tpu.core_type<sc_vector_subcore>, window_params = [{transform_indices = #map}, {transform_indices = #map1}, {transform_indices = #map1}, {transform_indices = #map1}, {transform_indices = #map}]} {
    %mul3A = arith.constant 2 : i32
    %mul3A_0 = arith.muli %arg1, %mul3A : i32
    %add3A = arith.addi %mul3A_0, %arg0 : i32
    %broadcast_in_dim3A = arith.constant 0.000000e+00 : f32
    %broadcast_in_dim3A_1 = vector.broadcast %broadcast_in_dim3A : f32 to vector<16xf32>
    %broadcast_in_dim3A_2 = arith.constant 1.000000e+00 : f32
    %broadcast_in_dim3A_3 = vector.broadcast %broadcast_in_dim3A_2 : f32 to vector<16xf32>
    %scan3A = arith.constant 0 : i32
    %scan3A_4 = arith.constant 33 : i32
    %scan3A_5 = arith.addi %scan3A, %scan3A_4 : i32
    %scan3A_6 = arith.constant 1 : i32
    scf.for %scan3A_76 = %scan3A to %scan3A_5 step %scan3A_6  : i32 {
      %mul3A_77 = arith.constant 1 : i32
      %mul3A_78 = arith.muli %scan3A_76, %mul3A_77 : i32
      %add3A_79 = arith.constant 0 : i32
      %add3A_80 = arith.addi %add3A_79, %mul3A_78 : i32
      %swap3A = arith.index_cast %add3A_80 : i32 to index
      %swap3A_81 = arith.constant 0 : index
      %swap3A_82 = tpu.vector_load %arg8[%swap3A, %swap3A_81] {strides = array<i32>} : memref<128x128xf32, #tpu.memory_space<vmem>>, vector<1x16xf32>,
      %swap3A_83 = vector.shape_cast %swap3A_82 : vector<1x16xf32> to vector<16xf32>
      %swap3A_84 = vector.shape_cast %broadcast_in_dim3A_1 : vector<16xf32> to vector<1x16xf32>
      tpu.vector_store %arg8[%swap3A, %swap3A_81], %swap3A_84 {strides = array<i32>} : memref<128x128xf32, #tpu.memory_space<vmem>>, vector<1x16xf32>,
      %swap3A_85 = arith.index_cast %add3A_80 : i32 to index
      %swap3A_86 = arith.constant 16 : index
      %swap3A_87 = tpu.vector_load %arg8[%swap3A_85, %swap3A_86] {strides = array<i32>} : memref<128x128xf32, #tpu.memory_space<vmem>>, vector<1x16xf32>,
      %swap3A_88 = vector.shape_cast %swap3A_87 : vector<1x16xf32> to vector<16xf32>
      %swap3A_89 = vector.shape_cast %broadcast_in_dim3A_1 : vector<16xf32> to vector<1x16xf32>
      tpu.vector_store %arg8[%swap3A_85, %swap3A_86], %swap3A_89 {strides = array<i32>} : memref<128x128xf32, #tpu.memory_space<vmem>>, vector<1x16xf32>,
      %swap3A_90 = arith.index_cast %add3A_80 : i32 to index
      %swap3A_91 = arith.constant 32 : index
      %swap3A_92 = tpu.vector_load %arg8[%swap3A_90, %swap3A_91] {strides = array<i32>} : memref<128x128xf32, #tpu.memory_space<vmem>>, vector<1x16xf32>,
      %swap3A_93 = vector.shape_cast %swap3A_92 : vector<1x16xf32> to vector<16xf32>
      %swap3A_94 = vector.shape_cast %broadcast_in_dim3A_1 : vector<16xf32> to vector<1x16xf32>
      tpu.vector_store %arg8[%swap3A_90, %swap3A_91], %swap3A_94 {strides = array<i32>} : memref<128x128xf32, #tpu.memory_space<vmem>>, vector<1x16xf32>,
      %swap3A_95 = arith.index_cast %add3A_80 : i32 to index
      %swap3A_96 = arith.constant 48 : index
      %swap3A_97 = tpu.vector_load %arg8[%swap3A_95, %swap3A_96] {strides = array<i32>} : memref<128x128xf32, #tpu.memory_space<vmem>>, vector<1x16xf32>,
      %swap3A_98 = vector.shape_cast %swap3A_97 : vector<1x16xf32> to vector<16xf32>
      %swap3A_99 = vector.shape_cast %broadcast_in_dim3A_1 : vector<16xf32> to vector<1x16xf32>
      tpu.vector_store %arg8[%swap3A_95, %swap3A_96], %swap3A_99 {strides = array<i32>} : memref<128x128xf32, #tpu.memory_space<vmem>>, vector<1x16xf32>,
      %swap3A_100 = arith.index_cast %add3A_80 : i32 to index
      %swap3A_101 = arith.constant 64 : index
      %swap3A_102 = tpu.vector_load %arg8[%swap3A_100, %swap3A_101] {strides = array<i32>} : memref<128x128xf32, #tpu.memory_space<vmem>>, vector<1x16xf32>,
      %swap3A_103 = vector.shape_cast %swap3A_102 : vector<1x16xf32> to vector<16xf32>
      %swap3A_104 = vector.shape_cast %broadcast_in_dim3A_1 : vector<16xf32> to vector<1x16xf32>
      tpu.vector_store %arg8[%swap3A_100, %swap3A_101], %swap3A_104 {strides = array<i32>} : memref<128x128xf32, #tpu.memory_space<vmem>>, vector<1x16xf32>,
      %swap3A_105 = arith.index_cast %add3A_80 : i32 to index
      %swap3A_106 = arith.constant 80 : index
      %swap3A_107 = tpu.vector_load %arg8[%swap3A_105, %swap3A_106] {strides = array<i32>} : memref<128x128xf32, #tpu.memory_space<vmem>>, vector<1x16xf32>,
      %swap3A_108 = vector.shape_cast %swap3A_107 : vector<1x16xf32> to vector<16xf32>
      %swap3A_109 = vector.shape_cast %broadcast_in_dim3A_1 : vector<16xf32> to vector<1x16xf32>
      tpu.vector_store %arg8[%swap3A_105, %swap3A_106], %swap3A_109 {strides = array<i32>} : memref<128x128xf32, #tpu.memory_space<vmem>>, vector<1x16xf32>,
      %swap3A_110 = arith.index_cast %add3A_80 : i32 to index
      %swap3A_111 = arith.constant 96 : index
      %swap3A_112 = tpu.vector_load %arg8[%swap3A_110, %swap3A_111] {strides = array<i32>} : memref<128x128xf32, #tpu.memory_space<vmem>>, vector<1x16xf32>,
      %swap3A_113 = vector.shape_cast %swap3A_112 : vector<1x16xf32> to vector<16xf32>
      %swap3A_114 = vector.shape_cast %broadcast_in_dim3A_1 : vector<16xf32> to vector<1x16xf32>
      tpu.vector_store %arg8[%swap3A_110, %swap3A_111], %swap3A_114 {strides = array<i32>} : memref<128x128xf32, #tpu.memory_space<vmem>>, vector<1x16xf32>,
      %swap3A_115 = arith.index_cast %add3A_80 : i32 to index
      %swap3A_116 = arith.constant 112 : index
      %swap3A_117 = tpu.vector_load %arg8[%swap3A_115, %swap3A_116] {strides = array<i32>} : memref<128x128xf32, #tpu.memory_space<vmem>>, vector<1x16xf32>,
      %swap3A_118 = vector.shape_cast %swap3A_117 : vector<1x16xf32> to vector<16xf32>
      %swap3A_119 = vector.shape_cast %broadcast_in_dim3A_1 : vector<16xf32> to vector<1x16xf32>
      tpu.vector_store %arg8[%swap3A_115, %swap3A_116], %swap3A_119 {strides = array<i32>} : memref<128x128xf32, #tpu.memory_space<vmem>>, vector<1x16xf32>,
    }
    %scan3A_7 = arith.constant 33 : i32
    %scan3A_8 = arith.constant 0 : i32
    %scan3A_9 = arith.constant 128 : i32
    %scan3A_10 = arith.addi %scan3A_8, %scan3A_9 : i32
    %scan3A_11 = arith.constant 1 : i32
    scf.for %scan3A_76 = %scan3A_8 to %scan3A_10 step %scan3A_11  : i32 {
      %mul3A_77 = arith.constant 1 : i32
      %mul3A_78 = arith.muli %scan3A_76, %mul3A_77 : i32
      %add3A_79 = arith.constant 0 : i32
      %add3A_80 = arith.addi %add3A_79, %mul3A_78 : i32
      %swap3A = arith.index_cast %add3A_80 : i32 to index
      %swap3A_81 = arith.constant 0 : index
      %swap3A_82 = tpu.vector_load %arg10[%swap3A, %swap3A_81] {strides = array<i32>} : memref<128x128xf32, #tpu.memory_space<vmem>>, vector<1x16xf32>,
      %swap3A_83 = vector.shape_cast %swap3A_82 : vector<1x16xf32> to vector<16xf32>
      %swap3A_84 = vector.shape_cast %broadcast_in_dim3A_3 : vector<16xf32> to vector<1x16xf32>
      tpu.vector_store %arg10[%swap3A, %swap3A_81], %swap3A_84 {strides = array<i32>} : memref<128x128xf32, #tpu.memory_space<vmem>>, vector<1x16xf32>,
      %swap3A_85 = arith.index_cast %add3A_80 : i32 to index
      %swap3A_86 = arith.constant 16 : index
      %swap3A_87 = tpu.vector_load %arg10[%swap3A_85, %swap3A_86] {strides = array<i32>} : memref<128x128xf32, #tpu.memory_space<vmem>>, vector<1x16xf32>,
      %swap3A_88 = vector.shape_cast %swap3A_87 : vector<1x16xf32> to vector<16xf32>
      %swap3A_89 = vector.shape_cast %broadcast_in_dim3A_3 : vector<16xf32> to vector<1x16xf32>
      tpu.vector_store %arg10[%swap3A_85, %swap3A_86], %swap3A_89 {strides = array<i32>} : memref<128x128xf32, #tpu.memory_space<vmem>>, vector<1x16xf32>,
      %swap3A_90 = arith.index_cast %add3A_80 : i32 to index
      %swap3A_91 = arith.constant 32 : index
      %swap3A_92 = tpu.vector_load %arg10[%swap3A_90, %swap3A_91] {strides = array<i32>} : memref<128x128xf32, #tpu.memory_space<vmem>>, vector<1x16xf32>,
      %swap3A_93 = vector.shape_cast %swap3A_92 : vector<1x16xf32> to vector<16xf32>
      %swap3A_94 = vector.shape_cast %broadcast_in_dim3A_3 : vector<16xf32> to vector<1x16xf32>
      tpu.vector_store %arg10[%swap3A_90, %swap3A_91], %swap3A_94 {strides = array<i32>} : memref<128x128xf32, #tpu.memory_space<vmem>>, vector<1x16xf32>,
      %swap3A_95 = arith.index_cast %add3A_80 : i32 to index
      %swap3A_96 = arith.constant 48 : index
      %swap3A_97 = tpu.vector_load %arg10[%swap3A_95, %swap3A_96] {strides = array<i32>} : memref<128x128xf32, #tpu.memory_space<vmem>>, vector<1x16xf32>,
      %swap3A_98 = vector.shape_cast %swap3A_97 : vector<1x16xf32> to vector<16xf32>
      %swap3A_99 = vector.shape_cast %broadcast_in_dim3A_3 : vector<16xf32> to vector<1x16xf32>
      tpu.vector_store %arg10[%swap3A_95, %swap3A_96], %swap3A_99 {strides = array<i32>} : memref<128x128xf32, #tpu.memory_space<vmem>>, vector<1x16xf32>,
      %swap3A_100 = arith.index_cast %add3A_80 : i32 to index
      %swap3A_101 = arith.constant 64 : index
      %swap3A_102 = tpu.vector_load %arg10[%swap3A_100, %swap3A_101] {strides = array<i32>} : memref<128x128xf32, #tpu.memory_space<vmem>>, vector<1x16xf32>,
      %swap3A_103 = vector.shape_cast %swap3A_102 : vector<1x16xf32> to vector<16xf32>
      %swap3A_104 = vector.shape_cast %broadcast_in_dim3A_3 : vector<16xf32> to vector<1x16xf32>
      tpu.vector_store %arg10[%swap3A_100, %swap3A_101], %swap3A_104 {strides = array<i32>} : memref<128x128xf32, #tpu.memory_space<vmem>>, vector<1x16xf32>,
      %swap3A_105 = arith.index_cast %add3A_80 : i32 to index
      %swap3A_106 = arith.constant 80 : index
      %swap3A_107 = tpu.vector_load %arg10[%swap3A_105, %swap3A_106] {strides = array<i32>} : memref<128x128xf32, #tpu.memory_space<vmem>>, vector<1x16xf32>,
      %swap3A_108 = vector.shape_cast %swap3A_107 : vector<1x16xf32> to vector<16xf32>
      %swap3A_109 = vector.shape_cast %broadcast_in_dim3A_3 : vector<16xf32> to vector<1x16xf32>
      tpu.vector_store %arg10[%swap3A_105, %swap3A_106], %swap3A_109 {strides = array<i32>} : memref<128x128xf32, #tpu.memory_space<vmem>>, vector<1x16xf32>,
      %swap3A_110 = arith.index_cast %add3A_80 : i32 to index
      %swap3A_111 = arith.constant 96 : index
      %swap3A_112 = tpu.vector_load %arg10[%swap3A_110, %swap3A_111] {strides = array<i32>} : memref<128x128xf32, #tpu.memory_space<vmem>>, vector<1x16xf32>,
      %swap3A_113 = vector.shape_cast %swap3A_112 : vector<1x16xf32> to vector<16xf32>
      %swap3A_114 = vector.shape_cast %broadcast_in_dim3A_3 : vector<16xf32> to vector<1x16xf32>
      tpu.vector_store %arg10[%swap3A_110, %swap3A_111], %swap3A_114 {strides = array<i32>} : memref<128x128xf32, #tpu.memory_space<vmem>>, vector<1x16xf32>,
      %swap3A_115 = arith.index_cast %add3A_80 : i32 to index
      %swap3A_116 = arith.constant 112 : index
      %swap3A_117 = tpu.vector_load %arg10[%swap3A_115, %swap3A_116] {strides = array<i32>} : memref<128x128xf32, #tpu.memory_space<vmem>>, vector<1x16xf32>,
      %swap3A_118 = vector.shape_cast %swap3A_117 : vector<1x16xf32> to vector<16xf32>
      %swap3A_119 = vector.shape_cast %broadcast_in_dim3A_3 : vector<16xf32> to vector<1x16xf32>
      tpu.vector_store %arg10[%swap3A_115, %swap3A_116], %swap3A_119 {strides = array<i32>} : memref<128x128xf32, #tpu.memory_space<vmem>>, vector<1x16xf32>,
    }
    %scan3A_12 = arith.constant 128 : i32
    %mul3A_13 = arith.constant 32 : i32
    %mul3A_14 = arith.muli %mul3A_13, %arg1 : i32
    "tpu.region"() ({
      %run_scoped3A = tpu.sem_alloc : memref<!tpu.dma_semaphore, #tpu.memory_space<semaphore_mem>>
      %dma_start3A = arith.constant 0 : i32
      %dma_start3A_76 = arith.constant 0 : i32
      %dma_start3A_77 = tpu.memref_slice %arg8[%dma_start3A, %dma_start3A_76] : memref<128x128xf32, #tpu.memory_space<vmem>> -> memref<32x128xf32, #tpu.memory_space<vmem>>
      %dma_start3A_78 = arith.constant 0 : i32
      %dma_start3A_79 = tpu.memref_slice %arg11[%mul3A_14, %dma_start3A_78] : memref<513x128xf32, #tpu.memory_space<vmem_shared>> -> memref<32x128xf32, #tpu.memory_space<vmem_shared>>
      %dma_start3A_80 = arith.constant 0 : i32
      %dma_start3A_81 = tpu.memref_slice %arg11[%mul3A_14, %dma_start3A_80] : memref<513x128xf32, #tpu.memory_space<vmem_shared>> -> memref<32x128xf32, #tpu.memory_space<vmem_shared>>
      %dma_start3A_82 = arith.constant 0 : i32
      %dma_start3A_83 = arith.constant 0 : i32
      %dma_start3A_84 = tpu.memref_slice %arg8[%dma_start3A_82, %dma_start3A_83] : memref<128x128xf32, #tpu.memory_space<vmem>> -> memref<32x128xf32, #tpu.memory_space<vmem>>
      tpu.enqueue_dma source(%dma_start3A_84 : memref<32x128xf32, #tpu.memory_space<vmem>>) target(%dma_start3A_81 : memref<32x128xf32, #tpu.memory_space<vmem_shared>>) target_semaphore(%run_scoped3A : memref<!tpu.dma_semaphore, #tpu.memory_space<semaphore_mem>>)
      %dma_wait3A = arith.constant 0 : i32
      %dma_wait3A_85 = arith.constant 0 : i32
      %dma_wait3A_86 = tpu.memref_slice %arg8[%dma_wait3A, %dma_wait3A_85] : memref<128x128xf32, #tpu.memory_space<vmem>> -> memref<32x128xf32, #tpu.memory_space<vmem>>
      %dma_wait3A_87 = arith.constant 0 : i32
      %dma_wait3A_88 = tpu.memref_slice %arg11[%mul3A_14, %dma_wait3A_87] : memref<513x128xf32, #tpu.memory_space<vmem_shared>> -> memref<32x128xf32, #tpu.memory_space<vmem_shared>>
      %dma_wait3A_89 = arith.constant 0 : i32
      %dma_wait3A_90 = tpu.memref_slice %arg11[%mul3A_14, %dma_wait3A_89] : memref<513x128xf32, #tpu.memory_space<vmem_shared>> -> memref<32x128xf32, #tpu.memory_space<vmem_shared>>
      %dma_wait3A_91 = arith.constant 0 : i32
      %dma_wait3A_92 = arith.constant 0 : i32
      %dma_wait3A_93 = tpu.memref_slice %arg8[%dma_wait3A_91, %dma_wait3A_92] : memref<128x128xf32, #tpu.memory_space<vmem>> -> memref<32x128xf32, #tpu.memory_space<vmem>>
      tpu.wait_dma2 semaphore(%run_scoped3A : memref<!tpu.dma_semaphore, #tpu.memory_space<semaphore_mem>>) src(%dma_wait3A_93 : memref<32x128xf32, #tpu.memory_space<vmem>>) dst(%dma_wait3A_90 : memref<32x128xf32, #tpu.memory_space<vmem_shared>>)
      tpu.yield
    }) : () -> ()
    %mul3A_15 = arith.constant 32 : i32
    %mul3A_16 = arith.muli %mul3A_15, %arg1 : i32
    "tpu.region"() ({
      %run_scoped3A = tpu.sem_alloc : memref<!tpu.dma_semaphore, #tpu.memory_space<semaphore_mem>>
      %dma_start3A = arith.constant 0 : i32
      %dma_start3A_76 = arith.constant 0 : i32
      %dma_start3A_77 = tpu.memref_slice %arg8[%dma_start3A, %dma_start3A_76] : memref<128x128xf32, #tpu.memory_space<vmem>> -> memref<32x128xf32, #tpu.memory_space<vmem>>
      %dma_start3A_78 = arith.constant 0 : i32
      %dma_start3A_79 = tpu.memref_slice %arg12[%mul3A_16, %dma_start3A_78] : memref<513x128xf32, #tpu.memory_space<vmem_shared>> -> memref<32x128xf32, #tpu.memory_space<vmem_shared>>
      %dma_start3A_80 = arith.constant 0 : i32
      %dma_start3A_81 = tpu.memref_slice %arg12[%mul3A_16, %dma_start3A_80] : memref<513x128xf32, #tpu.memory_space<vmem_shared>> -> memref<32x128xf32, #tpu.memory_space<vmem_shared>>
      %dma_start3A_82 = arith.constant 0 : i32
      %dma_start3A_83 = arith.constant 0 : i32
      %dma_start3A_84 = tpu.memref_slice %arg8[%dma_start3A_82, %dma_start3A_83] : memref<128x128xf32, #tpu.memory_space<vmem>> -> memref<32x128xf32, #tpu.memory_space<vmem>>
      tpu.enqueue_dma source(%dma_start3A_84 : memref<32x128xf32, #tpu.memory_space<vmem>>) target(%dma_start3A_81 : memref<32x128xf32, #tpu.memory_space<vmem_shared>>) target_semaphore(%run_scoped3A : memref<!tpu.dma_semaphore, #tpu.memory_space<semaphore_mem>>)
      %dma_wait3A = arith.constant 0 : i32
      %dma_wait3A_85 = arith.constant 0 : i32
      %dma_wait3A_86 = tpu.memref_slice %arg8[%dma_wait3A, %dma_wait3A_85] : memref<128x128xf32, #tpu.memory_space<vmem>> -> memref<32x128xf32, #tpu.memory_space<vmem>>
      %dma_wait3A_87 = arith.constant 0 : i32
      %dma_wait3A_88 = tpu.memref_slice %arg12[%mul3A_16, %dma_wait3A_87] : memref<513x128xf32, #tpu.memory_space<vmem_shared>> -> memref<32x128xf32, #tpu.memory_space<vmem_shared>>
      %dma_wait3A_89 = arith.constant 0 : i32
      %dma_wait3A_90 = tpu.memref_slice %arg12[%mul3A_16, %dma_wait3A_89] : memref<513x128xf32, #tpu.memory_space<vmem_shared>> -> memref<32x128xf32, #tpu.memory_space<vmem_shared>>
      %dma_wait3A_91 = arith.constant 0 : i32
      %dma_wait3A_92 = arith.constant 0 : i32
      %dma_wait3A_93 = tpu.memref_slice %arg8[%dma_wait3A_91, %dma_wait3A_92] : memref<128x128xf32, #tpu.memory_space<vmem>> -> memref<32x128xf32, #tpu.memory_space<vmem>>
      tpu.wait_dma2 semaphore(%run_scoped3A : memref<!tpu.dma_semaphore, #tpu.memory_space<semaphore_mem>>) src(%dma_wait3A_93 : memref<32x128xf32, #tpu.memory_space<vmem>>) dst(%dma_wait3A_90 : memref<32x128xf32, #tpu.memory_space<vmem_shared>>)
      tpu.yield
    }) : () -> ()
    %eq3A = arith.constant 0 : i32
    %eq3A_17 = arith.cmpi eq, %arg1, %eq3A : i32
    %convert_element_type3A = arith.extui %eq3A_17 : i1 to i32
    %cond3A = arith.constant 0 : i32
    %cond3A_18 = arith.cmpi ne, %convert_element_type3A, %cond3A : i32
    scf.if %cond3A_18 {
      "tpu.region"() ({
        %run_scoped3A = tpu.sem_alloc : memref<!tpu.dma_semaphore, #tpu.memory_space<semaphore_mem>>
        %dma_start3A = arith.constant 0 : i32
        %dma_start3A_76 = arith.constant 0 : i32
        %dma_start3A_77 = tpu.memref_slice %arg8[%dma_start3A, %dma_start3A_76] : memref<128x128xf32, #tpu.memory_space<vmem>> -> memref<1x128xf32, #tpu.memory_space<vmem>>
        %dma_start3A_78 = arith.constant 512 : i32
        %dma_start3A_79 = arith.constant 0 : i32
        %dma_start3A_80 = tpu.memref_slice %arg11[%dma_start3A_78, %dma_start3A_79] : memref<513x128xf32, #tpu.memory_space<vmem_shared>> -> memref<1x128xf32, #tpu.memory_space<vmem_shared>>
        %dma_start3A_81 = arith.constant 512 : i32
        %dma_start3A_82 = arith.constant 0 : i32
        %dma_start3A_83 = tpu.memref_slice %arg11[%dma_start3A_81, %dma_start3A_82] : memref<513x128xf32, #tpu.memory_space<vmem_shared>> -> memref<1x128xf32, #tpu.memory_space<vmem_shared>>
        %dma_start3A_84 = arith.constant 0 : i32
        %dma_start3A_85 = arith.constant 0 : i32
        %dma_start3A_86 = tpu.memref_slice %arg8[%dma_start3A_84, %dma_start3A_85] : memref<128x128xf32, #tpu.memory_space<vmem>> -> memref<1x128xf32, #tpu.memory_space<vmem>>
        tpu.enqueue_dma source(%dma_start3A_86 : memref<1x128xf32, #tpu.memory_space<vmem>>) target(%dma_start3A_83 : memref<1x128xf32, #tpu.memory_space<vmem_shared>>) target_semaphore(%run_scoped3A : memref<!tpu.dma_semaphore, #tpu.memory_space<semaphore_mem>>)
        %dma_wait3A = arith.constant 0 : i32
        %dma_wait3A_87 = arith.constant 0 : i32
        %dma_wait3A_88 = tpu.memref_slice %arg8[%dma_wait3A, %dma_wait3A_87] : memref<128x128xf32, #tpu.memory_space<vmem>> -> memref<1x128xf32, #tpu.memory_space<vmem>>
        %dma_wait3A_89 = arith.constant 512 : i32
        %dma_wait3A_90 = arith.constant 0 : i32
        %dma_wait3A_91 = tpu.memref_slice %arg11[%dma_wait3A_89, %dma_wait3A_90] : memref<513x128xf32, #tpu.memory_space<vmem_shared>> -> memref<1x128xf32, #tpu.memory_space<vmem_shared>>
        %dma_wait3A_92 = arith.constant 512 : i32
        %dma_wait3A_93 = arith.constant 0 : i32
        %dma_wait3A_94 = tpu.memref_slice %arg11[%dma_wait3A_92, %dma_wait3A_93] : memref<513x128xf32, #tpu.memory_space<vmem_shared>> -> memref<1x128xf32, #tpu.memory_space<vmem_shared>>
        %dma_wait3A_95 = arith.constant 0 : i32
        %dma_wait3A_96 = arith.constant 0 : i32
        %dma_wait3A_97 = tpu.memref_slice %arg8[%dma_wait3A_95, %dma_wait3A_96] : memref<128x128xf32, #tpu.memory_space<vmem>> -> memref<1x128xf32, #tpu.memory_space<vmem>>
        tpu.wait_dma2 semaphore(%run_scoped3A : memref<!tpu.dma_semaphore, #tpu.memory_space<semaphore_mem>>) src(%dma_wait3A_97 : memref<1x128xf32, #tpu.memory_space<vmem>>) dst(%dma_wait3A_94 : memref<1x128xf32, #tpu.memory_space<vmem_shared>>)
        tpu.yield
      }) : () -> ()
      "tpu.region"() ({
        %run_scoped3A = tpu.sem_alloc : memref<!tpu.dma_semaphore, #tpu.memory_space<semaphore_mem>>
        %dma_start3A = arith.constant 0 : i32
        %dma_start3A_76 = arith.constant 0 : i32
        %dma_start3A_77 = tpu.memref_slice %arg8[%dma_start3A, %dma_start3A_76] : memref<128x128xf32, #tpu.memory_space<vmem>> -> memref<1x128xf32, #tpu.memory_space<vmem>>
        %dma_start3A_78 = arith.constant 512 : i32
        %dma_start3A_79 = arith.constant 0 : i32
        %dma_start3A_80 = tpu.memref_slice %arg12[%dma_start3A_78, %dma_start3A_79] : memref<513x128xf32, #tpu.memory_space<vmem_shared>> -> memref<1x128xf32, #tpu.memory_space<vmem_shared>>
        %dma_start3A_81 = arith.constant 512 : i32
        %dma_start3A_82 = arith.constant 0 : i32
        %dma_start3A_83 = tpu.memref_slice %arg12[%dma_start3A_81, %dma_start3A_82] : memref<513x128xf32, #tpu.memory_space<vmem_shared>> -> memref<1x128xf32, #tpu.memory_space<vmem_shared>>
        %dma_start3A_84 = arith.constant 0 : i32
        %dma_start3A_85 = arith.constant 0 : i32
        %dma_start3A_86 = tpu.memref_slice %arg8[%dma_start3A_84, %dma_start3A_85] : memref<128x128xf32, #tpu.memory_space<vmem>> -> memref<1x128xf32, #tpu.memory_space<vmem>>
        tpu.enqueue_dma source(%dma_start3A_86 : memref<1x128xf32, #tpu.memory_space<vmem>>) target(%dma_start3A_83 : memref<1x128xf32, #tpu.memory_space<vmem_shared>>) target_semaphore(%run_scoped3A : memref<!tpu.dma_semaphore, #tpu.memory_space<semaphore_mem>>)
        %dma_wait3A = arith.constant 0 : i32
        %dma_wait3A_87 = arith.constant 0 : i32
        %dma_wait3A_88 = tpu.memref_slice %arg8[%dma_wait3A, %dma_wait3A_87] : memref<128x128xf32, #tpu.memory_space<vmem>> -> memref<1x128xf32, #tpu.memory_space<vmem>>
        %dma_wait3A_89 = arith.constant 512 : i32
        %dma_wait3A_90 = arith.constant 0 : i32
        %dma_wait3A_91 = tpu.memref_slice %arg12[%dma_wait3A_89, %dma_wait3A_90] : memref<513x128xf32, #tpu.memory_space<vmem_shared>> -> memref<1x128xf32, #tpu.memory_space<vmem_shared>>
        %dma_wait3A_92 = arith.constant 512 : i32
        %dma_wait3A_93 = arith.constant 0 : i32
        %dma_wait3A_94 = tpu.memref_slice %arg12[%dma_wait3A_92, %dma_wait3A_93] : memref<513x128xf32, #tpu.memory_space<vmem_shared>> -> memref<1x128xf32, #tpu.memory_space<vmem_shared>>
        %dma_wait3A_95 = arith.constant 0 : i32
        %dma_wait3A_96 = arith.constant 0 : i32
        %dma_wait3A_97 = tpu.memref_slice %arg8[%dma_wait3A_95, %dma_wait3A_96] : memref<128x128xf32, #tpu.memory_space<vmem>> -> memref<1x128xf32, #tpu.memory_space<vmem>>
        tpu.wait_dma2 semaphore(%run_scoped3A : memref<!tpu.dma_semaphore, #tpu.memory_space<semaphore_mem>>) src(%dma_wait3A_97 : memref<1x128xf32, #tpu.memory_space<vmem>>) dst(%dma_wait3A_94 : memref<1x128xf32, #tpu.memory_space<vmem_shared>>)
        tpu.yield
      }) : () -> ()
    } else {
    }
    "tpu.region"() ({
      %run_scoped3A = tpu.sem_alloc : memref<!tpu.dma_semaphore, #tpu.memory_space<semaphore_mem>>
      %dma_start3A = arith.constant 0 : i32
      %dma_start3A_76 = arith.constant 0 : i32
      %dma_start3A_77 = tpu.memref_slice %arg3[%add3A, %dma_start3A, %dma_start3A_76] : memref<32x25x128xi32, #tpu.memory_space<hbm>> -> memref<1x25x128xi32, #tpu.memory_space<hbm>>
      %dma_start3A_78 = tpu.memref_squeeze %dma_start3A_77 : memref<1x25x128xi32, #tpu.memory_space<hbm>> -> memref<25x128xi32, #tpu.memory_space<hbm>>
      %dma_start3A_79 = arith.constant 0 : i32
      %dma_start3A_80 = arith.constant 0 : i32
      %dma_start3A_81 = tpu.memref_slice %arg3[%add3A, %dma_start3A_79, %dma_start3A_80] : memref<32x25x128xi32, #tpu.memory_space<hbm>> -> memref<1x25x128xi32, #tpu.memory_space<hbm>>
      %dma_start3A_82 = tpu.memref_squeeze %dma_start3A_81 : memref<1x25x128xi32, #tpu.memory_space<hbm>> -> memref<25x128xi32, #tpu.memory_space<hbm>>
      tpu.enqueue_dma source(%dma_start3A_82 : memref<25x128xi32, #tpu.memory_space<hbm>>) target(%arg7 : memref<25x128xi32, #tpu.memory_space<vmem>>) target_semaphore(%run_scoped3A : memref<!tpu.dma_semaphore, #tpu.memory_space<semaphore_mem>>)
      %dma_wait3A = arith.constant 0 : i32
      %dma_wait3A_83 = arith.constant 0 : i32
      %dma_wait3A_84 = tpu.memref_slice %arg3[%add3A, %dma_wait3A, %dma_wait3A_83] : memref<32x25x128xi32, #tpu.memory_space<hbm>> -> memref<1x25x128xi32, #tpu.memory_space<hbm>>
      %dma_wait3A_85 = tpu.memref_squeeze %dma_wait3A_84 : memref<1x25x128xi32, #tpu.memory_space<hbm>> -> memref<25x128xi32, #tpu.memory_space<hbm>>
      %dma_wait3A_86 = arith.constant 0 : i32
      %dma_wait3A_87 = arith.constant 0 : i32
      %dma_wait3A_88 = tpu.memref_slice %arg3[%add3A, %dma_wait3A_86, %dma_wait3A_87] : memref<32x25x128xi32, #tpu.memory_space<hbm>> -> memref<1x25x128xi32, #tpu.memory_space<hbm>>
      %dma_wait3A_89 = tpu.memref_squeeze %dma_wait3A_88 : memref<1x25x128xi32, #tpu.memory_space<hbm>> -> memref<25x128xi32, #tpu.memory_space<hbm>>
      tpu.wait_dma2 semaphore(%run_scoped3A : memref<!tpu.dma_semaphore, #tpu.memory_space<semaphore_mem>>) src(%dma_wait3A_89 : memref<25x128xi32, #tpu.memory_space<hbm>>) dst(%arg7 : memref<25x128xi32, #tpu.memory_space<vmem>>)
      tpu.yield
    }) : () -> ()
    %barrier3A = arith.constant 0 : index
    tpu.barrier barrier_id(%barrier3A)
    %mul3A_19 = arith.constant 25 : i32
    %mul3A_20 = arith.muli %add3A, %mul3A_19 : i32
    %add3A_21 = arith.constant 0 : i32
    %add3A_22 = arith.addi %mul3A_20, %add3A_21 : i32
    %mul3A_23 = arith.constant 128 : i32
    %mul3A_24 = arith.muli %add3A_22, %mul3A_23 : i32
    %lt3A = arith.constant 781 : i32
    %lt3A_25 = arith.cmpi slt, %add3A_22, %lt3A : i32
    %and3A = arith.constant true
    %and3A_26 = arith.andi %and3A, %lt3A_25 : i1
    %convert_element_type3A_27 = arith.extui %and3A_26 : i1 to i32
    %cond3A_28 = arith.constant 0 : i32
    %cond3A_29 = arith.cmpi ne, %convert_element_type3A_27, %cond3A_28 : i32
    scf.if %cond3A_29 {
      %dma_start3A = arith.constant 0 : i32
      %dma_start3A_76 = tpu.memref_slice %arg2[%mul3A_24, %dma_start3A] : memref<100000x128xf32, #tpu.memory_space<hbm>> -> memref<128x128xf32, #tpu.memory_space<hbm>>
      %dma_start3A_77 = arith.constant 0 : i32
      %dma_start3A_78 = tpu.memref_slice %arg2[%mul3A_24, %dma_start3A_77] : memref<100000x128xf32, #tpu.memory_space<hbm>> -> memref<128x128xf32, #tpu.memory_space<hbm>>
      tpu.enqueue_dma source(%dma_start3A_78 : memref<128x128xf32, #tpu.memory_space<hbm>>) target(%arg8 : memref<128x128xf32, #tpu.memory_space<vmem>>) target_semaphore(%arg13 : memref<!tpu.dma_semaphore, #tpu.memory_space<semaphore_mem>>)
    } else {
    }
    %eq3A_30 = arith.constant 781 : i32
    %eq3A_31 = arith.cmpi eq, %add3A_22, %eq3A_30 : i32
    %and3A_32 = arith.constant true
    %and3A_33 = arith.andi %and3A_32, %eq3A_31 : i1
    %convert_element_type3A_34 = arith.extui %and3A_33 : i1 to i32
    %cond3A_35 = arith.constant 0 : i32
    %cond3A_36 = arith.cmpi ne, %convert_element_type3A_34, %cond3A_35 : i32
    scf.if %cond3A_36 {
      %dma_start3A = arith.constant 0 : i32
      %dma_start3A_76 = arith.constant 0 : i32
      %dma_start3A_77 = tpu.memref_slice %arg8[%dma_start3A, %dma_start3A_76] : memref<128x128xf32, #tpu.memory_space<vmem>> -> memref<32x128xf32, #tpu.memory_space<vmem>>
      %dma_start3A_78 = arith.constant 0 : i32
      %dma_start3A_79 = tpu.memref_slice %arg2[%mul3A_24, %dma_start3A_78] : memref<100000x128xf32, #tpu.memory_space<hbm>> -> memref<32x128xf32, #tpu.memory_space<hbm>>
      %dma_start3A_80 = arith.constant 0 : i32
      %dma_start3A_81 = arith.constant 0 : i32
      %dma_start3A_82 = tpu.memref_slice %arg8[%dma_start3A_80, %dma_start3A_81] : memref<128x128xf32, #tpu.memory_space<vmem>> -> memref<32x128xf32, #tpu.memory_space<vmem>>
      %dma_start3A_83 = arith.constant 0 : i32
      %dma_start3A_84 = tpu.memref_slice %arg2[%mul3A_24, %dma_start3A_83] : memref<100000x128xf32, #tpu.memory_space<hbm>> -> memref<32x128xf32, #tpu.memory_space<hbm>>
      tpu.enqueue_dma source(%dma_start3A_84 : memref<32x128xf32, #tpu.memory_space<hbm>>) target(%dma_start3A_82 : memref<32x128xf32, #tpu.memory_space<vmem>>) target_semaphore(%arg13 : memref<!tpu.dma_semaphore, #tpu.memory_space<semaphore_mem>>)
    } else {
    }
    %mul3A_37 = arith.constant 25 : i32
    %mul3A_38 = arith.muli %add3A, %mul3A_37 : i32
    %add3A_39 = arith.constant 1 : i32
    %add3A_40 = arith.addi %mul3A_38, %add3A_39 : i32
    %mul3A_41 = arith.constant 128 : i32
    %mul3A_42 = arith.muli %add3A_40, %mul3A_41 : i32
    %lt3A_43 = arith.constant 781 : i32
    %lt3A_44 = arith.cmpi slt, %add3A_40, %lt3A_43 : i32
    %and3A_45 = arith.constant true
    %and3A_46 = arith.andi %and3A_45, %lt3A_44 : i1
    %convert_element_type3A_47 = arith.extui %and3A_46 : i1 to i32
    %cond3A_48 = arith.constant 0 : i32
    %cond3A_49 = arith.cmpi ne, %convert_element_type3A_47, %cond3A_48 : i32
    scf.if %cond3A_49 {
      %dma_start3A = arith.constant 0 : i32
      %dma_start3A_76 = tpu.memref_slice %arg2[%mul3A_42, %dma_start3A] : memref<100000x128xf32, #tpu.memory_space<hbm>> -> memref<128x128xf32, #tpu.memory_space<hbm>>
      %dma_start3A_77 = arith.constant 0 : i32
      %dma_start3A_78 = tpu.memref_slice %arg2[%mul3A_42, %dma_start3A_77] : memref<100000x128xf32, #tpu.memory_space<hbm>> -> memref<128x128xf32, #tpu.memory_space<hbm>>
      tpu.enqueue_dma source(%dma_start3A_78 : memref<128x128xf32, #tpu.memory_space<hbm>>) target(%arg9 : memref<128x128xf32, #tpu.memory_space<vmem>>) target_semaphore(%arg14 : memref<!tpu.dma_semaphore, #tpu.memory_space<semaphore_mem>>)
    } else {
    }
    %eq3A_50 = arith.constant 781 : i32
    %eq3A_51 = arith.cmpi eq, %add3A_40, %eq3A_50 : i32
    %and3A_52 = arith.constant true
    %and3A_53 = arith.andi %and3A_52, %eq3A_51 : i1
    %convert_element_type3A_54 = arith.extui %and3A_53 : i1 to i32
    %cond3A_55 = arith.constant 0 : i32
    %cond3A_56 = arith.cmpi ne, %convert_element_type3A_54, %cond3A_55 : i32
    scf.if %cond3A_56 {
      %dma_start3A = arith.constant 0 : i32
      %dma_start3A_76 = arith.constant 0 : i32
      %dma_start3A_77 = tpu.memref_slice %arg9[%dma_start3A, %dma_start3A_76] : memref<128x128xf32, #tpu.memory_space<vmem>> -> memref<32x128xf32, #tpu.memory_space<vmem>>
      %dma_start3A_78 = arith.constant 0 : i32
      %dma_start3A_79 = tpu.memref_slice %arg2[%mul3A_42, %dma_start3A_78] : memref<100000x128xf32, #tpu.memory_space<hbm>> -> memref<32x128xf32, #tpu.memory_space<hbm>>
      %dma_start3A_80 = arith.constant 0 : i32
      %dma_start3A_81 = arith.constant 0 : i32
      %dma_start3A_82 = tpu.memref_slice %arg9[%dma_start3A_80, %dma_start3A_81] : memref<128x128xf32, #tpu.memory_space<vmem>> -> memref<32x128xf32, #tpu.memory_space<vmem>>
      %dma_start3A_83 = arith.constant 0 : i32
      %dma_start3A_84 = tpu.memref_slice %arg2[%mul3A_42, %dma_start3A_83] : memref<100000x128xf32, #tpu.memory_space<hbm>> -> memref<32x128xf32, #tpu.memory_space<hbm>>
      tpu.enqueue_dma source(%dma_start3A_84 : memref<32x128xf32, #tpu.memory_space<hbm>>) target(%dma_start3A_82 : memref<32x128xf32, #tpu.memory_space<vmem>>) target_semaphore(%arg14 : memref<!tpu.dma_semaphore, #tpu.memory_space<semaphore_mem>>)
    } else {
    }
    %scan3A_57 = arith.constant 0 : i32
    %scan3A_58 = arith.constant 13 : i32
    %scan3A_59 = arith.addi %scan3A_57, %scan3A_58 : i32
    %scan3A_60 = arith.constant 1 : i32
    scf.for %scan3A_76 = %scan3A_57 to %scan3A_59 step %scan3A_60  : i32 {
      %mul3A_77 = arith.constant 2 : i32
      %mul3A_78 = arith.muli %scan3A_76, %mul3A_77 : i32
      %add3A_79 = arith.constant 0 : i32
      %add3A_80 = arith.addi %add3A_79, %mul3A_78 : i32
      %mul3A_81 = arith.constant 25 : i32
      %mul3A_82 = arith.muli %add3A, %mul3A_81 : i32
      %add3A_83 = arith.addi %mul3A_82, %add3A_80 : i32
      %lt3A_84 = arith.constant 25 : i32
      %lt3A_85 = arith.cmpi slt, %add3A_80, %lt3A_84 : i32
      %lt3A_86 = arith.constant 781 : i32
      %lt3A_87 = arith.cmpi slt, %add3A_83, %lt3A_86 : i32
      %and3A_88 = arith.andi %lt3A_85, %lt3A_87 : i1
      %convert_element_type3A_89 = arith.extui %and3A_88 : i1 to i32
      %cond3A_90 = arith.constant 0 : i32
      %cond3A_91 = arith.cmpi ne, %convert_element_type3A_89, %cond3A_90 : i32
      scf.if %cond3A_91 {
        %dma_wait3A = arith.constant 0 : i32
        %dma_wait3A_322 = arith.constant 0 : i32
        %dma_wait3A_323 = tpu.memref_slice %arg2[%dma_wait3A, %dma_wait3A_322] : memref<100000x128xf32, #tpu.memory_space<hbm>> -> memref<128x128xf32, #tpu.memory_space<hbm>>
        %dma_wait3A_324 = arith.constant 0 : i32
        %dma_wait3A_325 = arith.constant 0 : i32
        %dma_wait3A_326 = tpu.memref_slice %arg2[%dma_wait3A_324, %dma_wait3A_325] : memref<100000x128xf32, #tpu.memory_space<hbm>> -> memref<128x128xf32, #tpu.memory_space<hbm>>
        tpu.wait_dma2 semaphore(%arg13 : memref<!tpu.dma_semaphore, #tpu.memory_space<semaphore_mem>>) src(%dma_wait3A_326 : memref<128x128xf32, #tpu.memory_space<hbm>>) dst(%arg8 : memref<128x128xf32, #tpu.memory_space<vmem>>)
      } else {
      }
      %lt3A_92 = arith.constant 25 : i32
      %lt3A_93 = arith.cmpi slt, %add3A_80, %lt3A_92 : i32
      %eq3A_94 = arith.constant 781 : i32
      %eq3A_95 = arith.cmpi eq, %add3A_83, %eq3A_94 : i32
      %and3A_96 = arith.andi %lt3A_93, %eq3A_95 : i1
      %convert_element_type3A_97 = arith.extui %and3A_96 : i1 to i32
      %cond3A_98 = arith.constant 0 : i32
      %cond3A_99 = arith.cmpi ne, %convert_element_type3A_97, %cond3A_98 : i32
      scf.if %cond3A_99 {
        %dma_wait3A = arith.constant 0 : i32
        %dma_wait3A_322 = arith.constant 0 : i32
        %dma_wait3A_323 = tpu.memref_slice %arg8[%dma_wait3A, %dma_wait3A_322] : memref<128x128xf32, #tpu.memory_space<vmem>> -> memref<32x128xf32, #tpu.memory_space<vmem>>
        %dma_wait3A_324 = arith.constant 0 : i32
        %dma_wait3A_325 = arith.constant 0 : i32
        %dma_wait3A_326 = tpu.memref_slice %arg2[%dma_wait3A_324, %dma_wait3A_325] : memref<100000x128xf32, #tpu.memory_space<hbm>> -> memref<32x128xf32, #tpu.memory_space<hbm>>
        %dma_wait3A_327 = arith.constant 0 : i32
        %dma_wait3A_328 = arith.constant 0 : i32
        %dma_wait3A_329 = tpu.memref_slice %arg8[%dma_wait3A_327, %dma_wait3A_328] : memref<128x128xf32, #tpu.memory_space<vmem>> -> memref<32x128xf32, #tpu.memory_space<vmem>>
        %dma_wait3A_330 = arith.constant 0 : i32
        %dma_wait3A_331 = arith.constant 0 : i32
        %dma_wait3A_332 = tpu.memref_slice %arg2[%dma_wait3A_330, %dma_wait3A_331] : memref<100000x128xf32, #tpu.memory_space<hbm>> -> memref<32x128xf32, #tpu.memory_space<hbm>>
        tpu.wait_dma2 semaphore(%arg13 : memref<!tpu.dma_semaphore, #tpu.memory_space<semaphore_mem>>) src(%dma_wait3A_332 : memref<32x128xf32, #tpu.memory_space<hbm>>) dst(%dma_wait3A_329 : memref<32x128xf32, #tpu.memory_space<vmem>>)
      } else {
      }
      %mul3A_100 = arith.constant 25 : i32
      %mul3A_101 = arith.muli %add3A, %mul3A_100 : i32
      %add3A_102 = arith.addi %mul3A_101, %add3A_80 : i32
      %mul3A_103 = arith.constant 128 : i32
      %mul3A_104 = arith.muli %add3A_102, %mul3A_103 : i32
      %lt3A_105 = arith.constant 25 : i32
      %lt3A_106 = arith.cmpi slt, %add3A_80, %lt3A_105 : i32
      %lt3A_107 = arith.constant 781 : i32
      %lt3A_108 = arith.cmpi slt, %add3A_102, %lt3A_107 : i32
      %and3A_109 = arith.andi %lt3A_106, %lt3A_108 : i1
      %convert_element_type3A_110 = arith.extui %and3A_109 : i1 to i32
      %cond3A_111 = arith.constant 0 : i32
      %cond3A_112 = arith.cmpi ne, %convert_element_type3A_110, %cond3A_111 : i32
      scf.if %cond3A_112 {
        %dma_start3A = arith.constant 0 : i32
        %dma_start3A_322 = tpu.memref_slice %arg6[%mul3A_104, %dma_start3A] : memref<100000x128xf32, #tpu.memory_space<hbm>> -> memref<128x128xf32, #tpu.memory_space<hbm>>
        %dma_start3A_323 = arith.constant 0 : i32
        %dma_start3A_324 = tpu.memref_slice %arg6[%mul3A_104, %dma_start3A_323] : memref<100000x128xf32, #tpu.memory_space<hbm>> -> memref<128x128xf32, #tpu.memory_space<hbm>>
        tpu.enqueue_dma source(%arg8 : memref<128x128xf32, #tpu.memory_space<vmem>>) target(%dma_start3A_324 : memref<128x128xf32, #tpu.memory_space<hbm>>) target_semaphore(%arg15 : memref<!tpu.dma_semaphore, #tpu.memory_space<semaphore_mem>>)
      } else {
      }
      %lt3A_113 = arith.constant 25 : i32
      %lt3A_114 = arith.cmpi slt, %add3A_80, %lt3A_113 : i32
      %eq3A_115 = arith.constant 781 : i32
      %eq3A_116 = arith.cmpi eq, %add3A_102, %eq3A_115 : i32
      %and3A_117 = arith.andi %lt3A_114, %eq3A_116 : i1
      %convert_element_type3A_118 = arith.extui %and3A_117 : i1 to i32
      %cond3A_119 = arith.constant 0 : i32
      %cond3A_120 = arith.cmpi ne, %convert_element_type3A_118, %cond3A_119 : i32
      scf.if %cond3A_120 {
        %dma_start3A = arith.constant 0 : i32
        %dma_start3A_322 = arith.constant 0 : i32
        %dma_start3A_323 = tpu.memref_slice %arg8[%dma_start3A, %dma_start3A_322] : memref<128x128xf32, #tpu.memory_space<vmem>> -> memref<32x128xf32, #tpu.memory_space<vmem>>
        %dma_start3A_324 = arith.constant 0 : i32
        %dma_start3A_325 = tpu.memref_slice %arg6[%mul3A_104, %dma_start3A_324] : memref<100000x128xf32, #tpu.memory_space<hbm>> -> memref<32x128xf32, #tpu.memory_space<hbm>>
        %dma_start3A_326 = arith.constant 0 : i32
        %dma_start3A_327 = tpu.memref_slice %arg6[%mul3A_104, %dma_start3A_326] : memref<100000x128xf32, #tpu.memory_space<hbm>> -> memref<32x128xf32, #tpu.memory_space<hbm>>
        %dma_start3A_328 = arith.constant 0 : i32
        %dma_start3A_329 = arith.constant 0 : i32
        %dma_start3A_330 = tpu.memref_slice %arg8[%dma_start3A_328, %dma_start3A_329] : memref<128x128xf32, #tpu.memory_space<vmem>> -> memref<32x128xf32, #tpu.memory_space<vmem>>
        tpu.enqueue_dma source(%dma_start3A_330 : memref<32x128xf32, #tpu.memory_space<vmem>>) target(%dma_start3A_327 : memref<32x128xf32, #tpu.memory_space<hbm>>) target_semaphore(%arg15 : memref<!tpu.dma_semaphore, #tpu.memory_space<semaphore_mem>>)
      } else {
      }
      %mul3A_121 = arith.constant 25 : i32
      %mul3A_122 = arith.muli %add3A, %mul3A_121 : i32
      %add3A_123 = arith.addi %mul3A_122, %add3A_80 : i32
      %lt3A_124 = arith.constant 25 : i32
      %lt3A_125 = arith.cmpi slt, %add3A_80, %lt3A_124 : i32
      %le3A = arith.constant 781 : i32
      %le3A_126 = arith.cmpi sle, %add3A_123, %le3A : i32
      %and3A_127 = arith.andi %lt3A_125, %le3A_126 : i1
      %convert_element_type3A_128 = arith.extui %and3A_127 : i1 to i32
      %cond3A_129 = arith.constant 0 : i32
      %cond3A_130 = arith.cmpi ne, %convert_element_type3A_128, %cond3A_129 : i32
      scf.if %cond3A_130 {
        %dma_start3A = arith.constant 0 : i32
        %dma_start3A_322 = tpu.memref_slice %arg7[%add3A_80, %dma_start3A] : memref<25x128xi32, #tpu.memory_space<vmem>> -> memref<1x128xi32, #tpu.memory_space<vmem>>
        %dma_start3A_323 = tpu.memref_squeeze %dma_start3A_322 : memref<1x128xi32, #tpu.memory_space<vmem>> -> memref<128xi32, #tpu.memory_space<vmem>>
        %dma_start3A_324 = arith.constant 0 : i32
        %dma_start3A_325 = arith.constant 0 : i32
        %dma_start3A_326 = tpu.memref_slice %arg11[%dma_start3A_324, %dma_start3A_325] : memref<513x128xf32, #tpu.memory_space<vmem_shared>> -> memref<513x128xf32, #tpu.memory_space<vmem_shared>>
        tpu.enqueue_indirect_dma source(%arg8 : memref<128x128xf32, #tpu.memory_space<vmem>>) target(%dma_start3A_326 : memref<513x128xf32, #tpu.memory_space<vmem_shared>>) offsets(%dma_start3A_323 : memref<128xi32, #tpu.memory_space<vmem>>) semaphore(%arg17 : memref<!tpu.dma_semaphore, #tpu.memory_space<semaphore_mem>>) {add = true}
      } else {
      }
      %mul3A_131 = arith.constant 25 : i32
      %mul3A_132 = arith.muli %add3A, %mul3A_131 : i32
      %add3A_133 = arith.addi %mul3A_132, %add3A_80 : i32
      %lt3A_134 = arith.constant 25 : i32
      %lt3A_135 = arith.cmpi slt, %add3A_80, %lt3A_134 : i32
      %le3A_136 = arith.constant 781 : i32
      %le3A_137 = arith.cmpi sle, %add3A_133, %le3A_136 : i32
      %and3A_138 = arith.andi %lt3A_135, %le3A_137 : i1
      %convert_element_type3A_139 = arith.extui %and3A_138 : i1 to i32
      %cond3A_140 = arith.constant 0 : i32
      %cond3A_141 = arith.cmpi ne, %convert_element_type3A_139, %cond3A_140 : i32
      scf.if %cond3A_141 {
        %dma_start3A = arith.constant 0 : i32
        %dma_start3A_322 = tpu.memref_slice %arg7[%add3A_80, %dma_start3A] : memref<25x128xi32, #tpu.memory_space<vmem>> -> memref<1x128xi32, #tpu.memory_space<vmem>>
        %dma_start3A_323 = tpu.memref_squeeze %dma_start3A_322 : memref<1x128xi32, #tpu.memory_space<vmem>> -> memref<128xi32, #tpu.memory_space<vmem>>
        %dma_start3A_324 = arith.constant 0 : i32
        %dma_start3A_325 = arith.constant 0 : i32
        %dma_start3A_326 = tpu.memref_slice %arg12[%dma_start3A_324, %dma_start3A_325] : memref<513x128xf32, #tpu.memory_space<vmem_shared>> -> memref<513x128xf32, #tpu.memory_space<vmem_shared>>
        tpu.enqueue_indirect_dma source(%arg10 : memref<128x128xf32, #tpu.memory_space<vmem>>) target(%dma_start3A_326 : memref<513x128xf32, #tpu.memory_space<vmem_shared>>) offsets(%dma_start3A_323 : memref<128xi32, #tpu.memory_space<vmem>>) semaphore(%arg19 : memref<!tpu.dma_semaphore, #tpu.memory_space<semaphore_mem>>) {add = true}
      } else {
      }
      %add3A_142 = arith.constant 1 : i32
      %add3A_143 = arith.addi %add3A_80, %add3A_142 : i32
      %mul3A_144 = arith.constant 25 : i32
      %mul3A_145 = arith.muli %add3A, %mul3A_144 : i32
      %add3A_146 = arith.addi %mul3A_145, %add3A_143 : i32
      %lt3A_147 = arith.constant 25 : i32
      %lt3A_148 = arith.cmpi slt, %add3A_143, %lt3A_147 : i32
      %lt3A_149 = arith.constant 781 : i32
      %lt3A_150 = arith.cmpi slt, %add3A_146, %lt3A_149 : i32
      %and3A_151 = arith.andi %lt3A_148, %lt3A_150 : i1
      %convert_element_type3A_152 = arith.extui %and3A_151 : i1 to i32
      %cond3A_153 = arith.constant 0 : i32
      %cond3A_154 = arith.cmpi ne, %convert_element_type3A_152, %cond3A_153 : i32
      scf.if %cond3A_154 {
        %dma_wait3A = arith.constant 0 : i32
        %dma_wait3A_322 = arith.constant 0 : i32
        %dma_wait3A_323 = tpu.memref_slice %arg2[%dma_wait3A, %dma_wait3A_322] : memref<100000x128xf32, #tpu.memory_space<hbm>> -> memref<128x128xf32, #tpu.memory_space<hbm>>
        %dma_wait3A_324 = arith.constant 0 : i32
        %dma_wait3A_325 = arith.constant 0 : i32
        %dma_wait3A_326 = tpu.memref_slice %arg2[%dma_wait3A_324, %dma_wait3A_325] : memref<100000x128xf32, #tpu.memory_space<hbm>> -> memref<128x128xf32, #tpu.memory_space<hbm>>
        tpu.wait_dma2 semaphore(%arg14 : memref<!tpu.dma_semaphore, #tpu.memory_space<semaphore_mem>>) src(%dma_wait3A_326 : memref<128x128xf32, #tpu.memory_space<hbm>>) dst(%arg9 : memref<128x128xf32, #tpu.memory_space<vmem>>)
      } else {
      }
      %lt3A_155 = arith.constant 25 : i32
      %lt3A_156 = arith.cmpi slt, %add3A_143, %lt3A_155 : i32
      %eq3A_157 = arith.constant 781 : i32
      %eq3A_158 = arith.cmpi eq, %add3A_146, %eq3A_157 : i32
      %and3A_159 = arith.andi %lt3A_156, %eq3A_158 : i1
      %convert_element_type3A_160 = arith.extui %and3A_159 : i1 to i32
      %cond3A_161 = arith.constant 0 : i32
      %cond3A_162 = arith.cmpi ne, %convert_element_type3A_160, %cond3A_161 : i32
      scf.if %cond3A_162 {
        %dma_wait3A = arith.constant 0 : i32
        %dma_wait3A_322 = arith.constant 0 : i32
        %dma_wait3A_323 = tpu.memref_slice %arg9[%dma_wait3A, %dma_wait3A_322] : memref<128x128xf32, #tpu.memory_space<vmem>> -> memref<32x128xf32, #tpu.memory_space<vmem>>
        %dma_wait3A_324 = arith.constant 0 : i32
        %dma_wait3A_325 = arith.constant 0 : i32
        %dma_wait3A_326 = tpu.memref_slice %arg2[%dma_wait3A_324, %dma_wait3A_325] : memref<100000x128xf32, #tpu.memory_space<hbm>> -> memref<32x128xf32, #tpu.memory_space<hbm>>
        %dma_wait3A_327 = arith.constant 0 : i32
        %dma_wait3A_328 = arith.constant 0 : i32
        %dma_wait3A_329 = tpu.memref_slice %arg9[%dma_wait3A_327, %dma_wait3A_328] : memref<128x128xf32, #tpu.memory_space<vmem>> -> memref<32x128xf32, #tpu.memory_space<vmem>>
        %dma_wait3A_330 = arith.constant 0 : i32
        %dma_wait3A_331 = arith.constant 0 : i32
        %dma_wait3A_332 = tpu.memref_slice %arg2[%dma_wait3A_330, %dma_wait3A_331] : memref<100000x128xf32, #tpu.memory_space<hbm>> -> memref<32x128xf32, #tpu.memory_space<hbm>>
        tpu.wait_dma2 semaphore(%arg14 : memref<!tpu.dma_semaphore, #tpu.memory_space<semaphore_mem>>) src(%dma_wait3A_332 : memref<32x128xf32, #tpu.memory_space<hbm>>) dst(%dma_wait3A_329 : memref<32x128xf32, #tpu.memory_space<vmem>>)
      } else {
      }
      %add3A_163 = arith.constant 1 : i32
      %add3A_164 = arith.addi %add3A_80, %add3A_163 : i32
      %mul3A_165 = arith.constant 25 : i32
      %mul3A_166 = arith.muli %add3A, %mul3A_165 : i32
      %add3A_167 = arith.addi %mul3A_166, %add3A_164 : i32
      %mul3A_168 = arith.constant 128 : i32
      %mul3A_169 = arith.muli %add3A_167, %mul3A_168 : i32
      %lt3A_170 = arith.constant 25 : i32
      %lt3A_171 = arith.cmpi slt, %add3A_164, %lt3A_170 : i32
      %lt3A_172 = arith.constant 781 : i32
      %lt3A_173 = arith.cmpi slt, %add3A_167, %lt3A_172 : i32
      %and3A_174 = arith.andi %lt3A_171, %lt3A_173 : i1
      %convert_element_type3A_175 = arith.extui %and3A_174 : i1 to i32
      %cond3A_176 = arith.constant 0 : i32
      %cond3A_177 = arith.cmpi ne, %convert_element_type3A_175, %cond3A_176 : i32
      scf.if %cond3A_177 {
        %dma_start3A = arith.constant 0 : i32
        %dma_start3A_322 = tpu.memref_slice %arg6[%mul3A_169, %dma_start3A] : memref<100000x128xf32, #tpu.memory_space<hbm>> -> memref<128x128xf32, #tpu.memory_space<hbm>>
        %dma_start3A_323 = arith.constant 0 : i32
        %dma_start3A_324 = tpu.memref_slice %arg6[%mul3A_169, %dma_start3A_323] : memref<100000x128xf32, #tpu.memory_space<hbm>> -> memref<128x128xf32, #tpu.memory_space<hbm>>
        tpu.enqueue_dma source(%arg9 : memref<128x128xf32, #tpu.memory_space<vmem>>) target(%dma_start3A_324 : memref<128x128xf32, #tpu.memory_space<hbm>>) target_semaphore(%arg16 : memref<!tpu.dma_semaphore, #tpu.memory_space<semaphore_mem>>)
      } else {
      }
      %lt3A_178 = arith.constant 25 : i32
      %lt3A_179 = arith.cmpi slt, %add3A_164, %lt3A_178 : i32
      %eq3A_180 = arith.constant 781 : i32
      %eq3A_181 = arith.cmpi eq, %add3A_167, %eq3A_180 : i32
      %and3A_182 = arith.andi %lt3A_179, %eq3A_181 : i1
      %convert_element_type3A_183 = arith.extui %and3A_182 : i1 to i32
      %cond3A_184 = arith.constant 0 : i32
      %cond3A_185 = arith.cmpi ne, %convert_element_type3A_183, %cond3A_184 : i32
      scf.if %cond3A_185 {
        %dma_start3A = arith.constant 0 : i32
        %dma_start3A_322 = arith.constant 0 : i32
        %dma_start3A_323 = tpu.memref_slice %arg9[%dma_start3A, %dma_start3A_322] : memref<128x128xf32, #tpu.memory_space<vmem>> -> memref<32x128xf32, #tpu.memory_space<vmem>>
        %dma_start3A_324 = arith.constant 0 : i32
        %dma_start3A_325 = tpu.memref_slice %arg6[%mul3A_169, %dma_start3A_324] : memref<100000x128xf32, #tpu.memory_space<hbm>> -> memref<32x128xf32, #tpu.memory_space<hbm>>
        %dma_start3A_326 = arith.constant 0 : i32
        %dma_start3A_327 = tpu.memref_slice %arg6[%mul3A_169, %dma_start3A_326] : memref<100000x128xf32, #tpu.memory_space<hbm>> -> memref<32x128xf32, #tpu.memory_space<hbm>>
        %dma_start3A_328 = arith.constant 0 : i32
        %dma_start3A_329 = arith.constant 0 : i32
        %dma_start3A_330 = tpu.memref_slice %arg9[%dma_start3A_328, %dma_start3A_329] : memref<128x128xf32, #tpu.memory_space<vmem>> -> memref<32x128xf32, #tpu.memory_space<vmem>>
        tpu.enqueue_dma source(%dma_start3A_330 : memref<32x128xf32, #tpu.memory_space<vmem>>) target(%dma_start3A_327 : memref<32x128xf32, #tpu.memory_space<hbm>>) target_semaphore(%arg16 : memref<!tpu.dma_semaphore, #tpu.memory_space<semaphore_mem>>)
      } else {
      }
      %add3A_186 = arith.constant 1 : i32
      %add3A_187 = arith.addi %add3A_80, %add3A_186 : i32
      %mul3A_188 = arith.constant 25 : i32
      %mul3A_189 = arith.muli %add3A, %mul3A_188 : i32
      %add3A_190 = arith.addi %mul3A_189, %add3A_187 : i32
      %lt3A_191 = arith.constant 25 : i32
      %lt3A_192 = arith.cmpi slt, %add3A_187, %lt3A_191 : i32
      %le3A_193 = arith.constant 781 : i32
      %le3A_194 = arith.cmpi sle, %add3A_190, %le3A_193 : i32
      %and3A_195 = arith.andi %lt3A_192, %le3A_194 : i1
      %convert_element_type3A_196 = arith.extui %and3A_195 : i1 to i32
      %cond3A_197 = arith.constant 0 : i32
      %cond3A_198 = arith.cmpi ne, %convert_element_type3A_196, %cond3A_197 : i32
      scf.if %cond3A_198 {
        %dma_start3A = arith.constant 0 : i32
        %dma_start3A_322 = tpu.memref_slice %arg7[%add3A_187, %dma_start3A] : memref<25x128xi32, #tpu.memory_space<vmem>> -> memref<1x128xi32, #tpu.memory_space<vmem>>
        %dma_start3A_323 = tpu.memref_squeeze %dma_start3A_322 : memref<1x128xi32, #tpu.memory_space<vmem>> -> memref<128xi32, #tpu.memory_space<vmem>>
        %dma_start3A_324 = arith.constant 0 : i32
        %dma_start3A_325 = arith.constant 0 : i32
        %dma_start3A_326 = tpu.memref_slice %arg11[%dma_start3A_324, %dma_start3A_325] : memref<513x128xf32, #tpu.memory_space<vmem_shared>> -> memref<513x128xf32, #tpu.memory_space<vmem_shared>>
        tpu.enqueue_indirect_dma source(%arg9 : memref<128x128xf32, #tpu.memory_space<vmem>>) target(%dma_start3A_326 : memref<513x128xf32, #tpu.memory_space<vmem_shared>>) offsets(%dma_start3A_323 : memref<128xi32, #tpu.memory_space<vmem>>) semaphore(%arg18 : memref<!tpu.dma_semaphore, #tpu.memory_space<semaphore_mem>>) {add = true}
      } else {
      }
      %add3A_199 = arith.constant 1 : i32
      %add3A_200 = arith.addi %add3A_80, %add3A_199 : i32
      %mul3A_201 = arith.constant 25 : i32
      %mul3A_202 = arith.muli %add3A, %mul3A_201 : i32
      %add3A_203 = arith.addi %mul3A_202, %add3A_200 : i32
      %lt3A_204 = arith.constant 25 : i32
      %lt3A_205 = arith.cmpi slt, %add3A_200, %lt3A_204 : i32
      %le3A_206 = arith.constant 781 : i32
      %le3A_207 = arith.cmpi sle, %add3A_203, %le3A_206 : i32
      %and3A_208 = arith.andi %lt3A_205, %le3A_207 : i1
      %convert_element_type3A_209 = arith.extui %and3A_208 : i1 to i32
      %cond3A_210 = arith.constant 0 : i32
      %cond3A_211 = arith.cmpi ne, %convert_element_type3A_209, %cond3A_210 : i32
      scf.if %cond3A_211 {
        %dma_start3A = arith.constant 0 : i32
        %dma_start3A_322 = tpu.memref_slice %arg7[%add3A_200, %dma_start3A] : memref<25x128xi32, #tpu.memory_space<vmem>> -> memref<1x128xi32, #tpu.memory_space<vmem>>
        %dma_start3A_323 = tpu.memref_squeeze %dma_start3A_322 : memref<1x128xi32, #tpu.memory_space<vmem>> -> memref<128xi32, #tpu.memory_space<vmem>>
        %dma_start3A_324 = arith.constant 0 : i32
        %dma_start3A_325 = arith.constant 0 : i32
        %dma_start3A_326 = tpu.memref_slice %arg12[%dma_start3A_324, %dma_start3A_325] : memref<513x128xf32, #tpu.memory_space<vmem_shared>> -> memref<513x128xf32, #tpu.memory_space<vmem_shared>>
        tpu.enqueue_indirect_dma source(%arg10 : memref<128x128xf32, #tpu.memory_space<vmem>>) target(%dma_start3A_326 : memref<513x128xf32, #tpu.memory_space<vmem_shared>>) offsets(%dma_start3A_323 : memref<128xi32, #tpu.memory_space<vmem>>) semaphore(%arg19 : memref<!tpu.dma_semaphore, #tpu.memory_space<semaphore_mem>>) {add = true}
      } else {
      }
      %mul3A_212 = arith.constant 25 : i32
      %mul3A_213 = arith.muli %add3A, %mul3A_212 : i32
      %add3A_214 = arith.addi %mul3A_213, %add3A_80 : i32
      %lt3A_215 = arith.constant 25 : i32
      %lt3A_216 = arith.cmpi slt, %add3A_80, %lt3A_215 : i32
      %lt3A_217 = arith.constant 781 : i32
      %lt3A_218 = arith.cmpi slt, %add3A_214, %lt3A_217 : i32
      %and3A_219 = arith.andi %lt3A_216, %lt3A_218 : i1
      %convert_element_type3A_220 = arith.extui %and3A_219 : i1 to i32
      %cond3A_221 = arith.constant 0 : i32
      %cond3A_222 = arith.cmpi ne, %convert_element_type3A_220, %cond3A_221 : i32
      scf.if %cond3A_222 {
        %dma_wait3A = arith.constant 0 : i32
        %dma_wait3A_322 = arith.constant 0 : i32
        %dma_wait3A_323 = tpu.memref_slice %arg6[%dma_wait3A, %dma_wait3A_322] : memref<100000x128xf32, #tpu.memory_space<hbm>> -> memref<128x128xf32, #tpu.memory_space<hbm>>
        %dma_wait3A_324 = arith.constant 0 : i32
        %dma_wait3A_325 = arith.constant 0 : i32
        %dma_wait3A_326 = tpu.memref_slice %arg6[%dma_wait3A_324, %dma_wait3A_325] : memref<100000x128xf32, #tpu.memory_space<hbm>> -> memref<128x128xf32, #tpu.memory_space<hbm>>
        tpu.wait_dma2 semaphore(%arg15 : memref<!tpu.dma_semaphore, #tpu.memory_space<semaphore_mem>>) src(%arg8 : memref<128x128xf32, #tpu.memory_space<vmem>>) dst(%dma_wait3A_326 : memref<128x128xf32, #tpu.memory_space<hbm>>)
      } else {
      }
      %lt3A_223 = arith.constant 25 : i32
      %lt3A_224 = arith.cmpi slt, %add3A_80, %lt3A_223 : i32
      %eq3A_225 = arith.constant 781 : i32
      %eq3A_226 = arith.cmpi eq, %add3A_214, %eq3A_225 : i32
      %and3A_227 = arith.andi %lt3A_224, %eq3A_226 : i1
      %convert_element_type3A_228 = arith.extui %and3A_227 : i1 to i32
      %cond3A_229 = arith.constant 0 : i32
      %cond3A_230 = arith.cmpi ne, %convert_element_type3A_228, %cond3A_229 : i32
      scf.if %cond3A_230 {
        %dma_wait3A = arith.constant 0 : i32
        %dma_wait3A_322 = arith.constant 0 : i32
        %dma_wait3A_323 = tpu.memref_slice %arg8[%dma_wait3A, %dma_wait3A_322] : memref<128x128xf32, #tpu.memory_space<vmem>> -> memref<32x128xf32, #tpu.memory_space<vmem>>
        %dma_wait3A_324 = arith.constant 0 : i32
        %dma_wait3A_325 = arith.constant 0 : i32
        %dma_wait3A_326 = tpu.memref_slice %arg6[%dma_wait3A_324, %dma_wait3A_325] : memref<100000x128xf32, #tpu.memory_space<hbm>> -> memref<32x128xf32, #tpu.memory_space<hbm>>
        %dma_wait3A_327 = arith.constant 0 : i32
        %dma_wait3A_328 = arith.constant 0 : i32
        %dma_wait3A_329 = tpu.memref_slice %arg6[%dma_wait3A_327, %dma_wait3A_328] : memref<100000x128xf32, #tpu.memory_space<hbm>> -> memref<32x128xf32, #tpu.memory_space<hbm>>
        %dma_wait3A_330 = arith.constant 0 : i32
        %dma_wait3A_331 = arith.constant 0 : i32
        %dma_wait3A_332 = tpu.memref_slice %arg8[%dma_wait3A_330, %dma_wait3A_331] : memref<128x128xf32, #tpu.memory_space<vmem>> -> memref<32x128xf32, #tpu.memory_space<vmem>>
        tpu.wait_dma2 semaphore(%arg15 : memref<!tpu.dma_semaphore, #tpu.memory_space<semaphore_mem>>) src(%dma_wait3A_332 : memref<32x128xf32, #tpu.memory_space<vmem>>) dst(%dma_wait3A_329 : memref<32x128xf32, #tpu.memory_space<hbm>>)
      } else {
      }
      %mul3A_231 = arith.constant 25 : i32
      %mul3A_232 = arith.muli %add3A, %mul3A_231 : i32
      %add3A_233 = arith.addi %mul3A_232, %add3A_80 : i32
      %lt3A_234 = arith.constant 25 : i32
      %lt3A_235 = arith.cmpi slt, %add3A_80, %lt3A_234 : i32
      %le3A_236 = arith.constant 781 : i32
      %le3A_237 = arith.cmpi sle, %add3A_233, %le3A_236 : i32
      %and3A_238 = arith.andi %lt3A_235, %le3A_237 : i1
      %convert_element_type3A_239 = arith.extui %and3A_238 : i1 to i32
      %cond3A_240 = arith.constant 0 : i32
      %cond3A_241 = arith.cmpi ne, %convert_element_type3A_239, %cond3A_240 : i32
      scf.if %cond3A_241 {
        %dma_wait3A = arith.constant 0 : i32
        %dma_wait3A_322 = tpu.memref_slice %arg7[%add3A_80, %dma_wait3A] : memref<25x128xi32, #tpu.memory_space<vmem>> -> memref<1x128xi32, #tpu.memory_space<vmem>>
        %dma_wait3A_323 = tpu.memref_squeeze %dma_wait3A_322 : memref<1x128xi32, #tpu.memory_space<vmem>> -> memref<128xi32, #tpu.memory_space<vmem>>
        %dma_wait3A_324 = arith.constant 0 : i32
        %dma_wait3A_325 = arith.constant 0 : i32
        %dma_wait3A_326 = tpu.memref_slice %arg11[%dma_wait3A_324, %dma_wait3A_325] : memref<513x128xf32, #tpu.memory_space<vmem_shared>> -> memref<513x128xf32, #tpu.memory_space<vmem_shared>>
        tpu.wait_indirect_dma semaphore(%arg17 : memref<!tpu.dma_semaphore, #tpu.memory_space<semaphore_mem>>) src(%arg8 : memref<128x128xf32, #tpu.memory_space<vmem>>) dst(%dma_wait3A_326 : memref<513x128xf32, #tpu.memory_space<vmem_shared>>)
      } else {
      }
      %add3A_242 = arith.constant 2 : i32
      %add3A_243 = arith.addi %add3A_80, %add3A_242 : i32
      %mul3A_244 = arith.constant 25 : i32
      %mul3A_245 = arith.muli %add3A, %mul3A_244 : i32
      %add3A_246 = arith.addi %mul3A_245, %add3A_243 : i32
      %mul3A_247 = arith.constant 128 : i32
      %mul3A_248 = arith.muli %add3A_246, %mul3A_247 : i32
      %lt3A_249 = arith.constant 25 : i32
      %lt3A_250 = arith.cmpi slt, %add3A_243, %lt3A_249 : i32
      %lt3A_251 = arith.constant 781 : i32
      %lt3A_252 = arith.cmpi slt, %add3A_246, %lt3A_251 : i32
      %and3A_253 = arith.andi %lt3A_250, %lt3A_252 : i1
      %convert_element_type3A_254 = arith.extui %and3A_253 : i1 to i32
      %cond3A_255 = arith.constant 0 : i32
      %cond3A_256 = arith.cmpi ne, %convert_element_type3A_254, %cond3A_255 : i32
      scf.if %cond3A_256 {
        %dma_start3A = arith.constant 0 : i32
        %dma_start3A_322 = tpu.memref_slice %arg2[%mul3A_248, %dma_start3A] : memref<100000x128xf32, #tpu.memory_space<hbm>> -> memref<128x128xf32, #tpu.memory_space<hbm>>
        %dma_start3A_323 = arith.constant 0 : i32
        %dma_start3A_324 = tpu.memref_slice %arg2[%mul3A_248, %dma_start3A_323] : memref<100000x128xf32, #tpu.memory_space<hbm>> -> memref<128x128xf32, #tpu.memory_space<hbm>>
        tpu.enqueue_dma source(%dma_start3A_324 : memref<128x128xf32, #tpu.memory_space<hbm>>) target(%arg8 : memref<128x128xf32, #tpu.memory_space<vmem>>) target_semaphore(%arg13 : memref<!tpu.dma_semaphore, #tpu.memory_space<semaphore_mem>>)
      } else {
      }
      %lt3A_257 = arith.constant 25 : i32
      %lt3A_258 = arith.cmpi slt, %add3A_243, %lt3A_257 : i32
      %eq3A_259 = arith.constant 781 : i32
      %eq3A_260 = arith.cmpi eq, %add3A_246, %eq3A_259 : i32
      %and3A_261 = arith.andi %lt3A_258, %eq3A_260 : i1
      %convert_element_type3A_262 = arith.extui %and3A_261 : i1 to i32
      %cond3A_263 = arith.constant 0 : i32
      %cond3A_264 = arith.cmpi ne, %convert_element_type3A_262, %cond3A_263 : i32
      scf.if %cond3A_264 {
        %dma_start3A = arith.constant 0 : i32
        %dma_start3A_322 = arith.constant 0 : i32
        %dma_start3A_323 = tpu.memref_slice %arg8[%dma_start3A, %dma_start3A_322] : memref<128x128xf32, #tpu.memory_space<vmem>> -> memref<32x128xf32, #tpu.memory_space<vmem>>
        %dma_start3A_324 = arith.constant 0 : i32
        %dma_start3A_325 = tpu.memref_slice %arg2[%mul3A_248, %dma_start3A_324] : memref<100000x128xf32, #tpu.memory_space<hbm>> -> memref<32x128xf32, #tpu.memory_space<hbm>>
        %dma_start3A_326 = arith.constant 0 : i32
        %dma_start3A_327 = arith.constant 0 : i32
        %dma_start3A_328 = tpu.memref_slice %arg8[%dma_start3A_326, %dma_start3A_327] : memref<128x128xf32, #tpu.memory_space<vmem>> -> memref<32x128xf32, #tpu.memory_space<vmem>>
        %dma_start3A_329 = arith.constant 0 : i32
        %dma_start3A_330 = tpu.memref_slice %arg2[%mul3A_248, %dma_start3A_329] : memref<100000x128xf32, #tpu.memory_space<hbm>> -> memref<32x128xf32, #tpu.memory_space<hbm>>
        tpu.enqueue_dma source(%dma_start3A_330 : memref<32x128xf32, #tpu.memory_space<hbm>>) target(%dma_start3A_328 : memref<32x128xf32, #tpu.memory_space<vmem>>) target_semaphore(%arg13 : memref<!tpu.dma_semaphore, #tpu.memory_space<semaphore_mem>>)
      } else {
      }
      %add3A_265 = arith.constant 1 : i32
      %add3A_266 = arith.addi %add3A_80, %add3A_265 : i32
      %mul3A_267 = arith.constant 25 : i32
      %mul3A_268 = arith.muli %add3A, %mul3A_267 : i32
      %add3A_269 = arith.addi %mul3A_268, %add3A_266 : i32
      %lt3A_270 = arith.constant 25 : i32
      %lt3A_271 = arith.cmpi slt, %add3A_266, %lt3A_270 : i32
      %lt3A_272 = arith.constant 781 : i32
      %lt3A_273 = arith.cmpi slt, %add3A_269, %lt3A_272 : i32
      %and3A_274 = arith.andi %lt3A_271, %lt3A_273 : i1
      %convert_element_type3A_275 = arith.extui %and3A_274 : i1 to i32
      %cond3A_276 = arith.constant 0 : i32
      %cond3A_277 = arith.cmpi ne, %convert_element_type3A_275, %cond3A_276 : i32
      scf.if %cond3A_277 {
        %dma_wait3A = arith.constant 0 : i32
        %dma_wait3A_322 = arith.constant 0 : i32
        %dma_wait3A_323 = tpu.memref_slice %arg6[%dma_wait3A, %dma_wait3A_322] : memref<100000x128xf32, #tpu.memory_space<hbm>> -> memref<128x128xf32, #tpu.memory_space<hbm>>
        %dma_wait3A_324 = arith.constant 0 : i32
        %dma_wait3A_325 = arith.constant 0 : i32
        %dma_wait3A_326 = tpu.memref_slice %arg6[%dma_wait3A_324, %dma_wait3A_325] : memref<100000x128xf32, #tpu.memory_space<hbm>> -> memref<128x128xf32, #tpu.memory_space<hbm>>
        tpu.wait_dma2 semaphore(%arg16 : memref<!tpu.dma_semaphore, #tpu.memory_space<semaphore_mem>>) src(%arg9 : memref<128x128xf32, #tpu.memory_space<vmem>>) dst(%dma_wait3A_326 : memref<128x128xf32, #tpu.memory_space<hbm>>)
      } else {
      }
      %lt3A_278 = arith.constant 25 : i32
      %lt3A_279 = arith.cmpi slt, %add3A_266, %lt3A_278 : i32
      %eq3A_280 = arith.constant 781 : i32
      %eq3A_281 = arith.cmpi eq, %add3A_269, %eq3A_280 : i32
      %and3A_282 = arith.andi %lt3A_279, %eq3A_281 : i1
      %convert_element_type3A_283 = arith.extui %and3A_282 : i1 to i32
      %cond3A_284 = arith.constant 0 : i32
      %cond3A_285 = arith.cmpi ne, %convert_element_type3A_283, %cond3A_284 : i32
      scf.if %cond3A_285 {
        %dma_wait3A = arith.constant 0 : i32
        %dma_wait3A_322 = arith.constant 0 : i32
        %dma_wait3A_323 = tpu.memref_slice %arg9[%dma_wait3A, %dma_wait3A_322] : memref<128x128xf32, #tpu.memory_space<vmem>> -> memref<32x128xf32, #tpu.memory_space<vmem>>
        %dma_wait3A_324 = arith.constant 0 : i32
        %dma_wait3A_325 = arith.constant 0 : i32
        %dma_wait3A_326 = tpu.memref_slice %arg6[%dma_wait3A_324, %dma_wait3A_325] : memref<100000x128xf32, #tpu.memory_space<hbm>> -> memref<32x128xf32, #tpu.memory_space<hbm>>
        %dma_wait3A_327 = arith.constant 0 : i32
        %dma_wait3A_328 = arith.constant 0 : i32
        %dma_wait3A_329 = tpu.memref_slice %arg6[%dma_wait3A_327, %dma_wait3A_328] : memref<100000x128xf32, #tpu.memory_space<hbm>> -> memref<32x128xf32, #tpu.memory_space<hbm>>
        %dma_wait3A_330 = arith.constant 0 : i32
        %dma_wait3A_331 = arith.constant 0 : i32
        %dma_wait3A_332 = tpu.memref_slice %arg9[%dma_wait3A_330, %dma_wait3A_331] : memref<128x128xf32, #tpu.memory_space<vmem>> -> memref<32x128xf32, #tpu.memory_space<vmem>>
        tpu.wait_dma2 semaphore(%arg16 : memref<!tpu.dma_semaphore, #tpu.memory_space<semaphore_mem>>) src(%dma_wait3A_332 : memref<32x128xf32, #tpu.memory_space<vmem>>) dst(%dma_wait3A_329 : memref<32x128xf32, #tpu.memory_space<hbm>>)
      } else {
      }
      %add3A_286 = arith.constant 1 : i32
      %add3A_287 = arith.addi %add3A_80, %add3A_286 : i32
      %mul3A_288 = arith.constant 25 : i32
      %mul3A_289 = arith.muli %add3A, %mul3A_288 : i32
      %add3A_290 = arith.addi %mul3A_289, %add3A_287 : i32
      %lt3A_291 = arith.constant 25 : i32
      %lt3A_292 = arith.cmpi slt, %add3A_287, %lt3A_291 : i32
      %le3A_293 = arith.constant 781 : i32
      %le3A_294 = arith.cmpi sle, %add3A_290, %le3A_293 : i32
      %and3A_295 = arith.andi %lt3A_292, %le3A_294 : i1
      %convert_element_type3A_296 = arith.extui %and3A_295 : i1 to i32
      %cond3A_297 = arith.constant 0 : i32
      %cond3A_298 = arith.cmpi ne, %convert_element_type3A_296, %cond3A_297 : i32
      scf.if %cond3A_298 {
        %dma_wait3A = arith.constant 0 : i32
        %dma_wait3A_322 = tpu.memref_slice %arg7[%add3A_287, %dma_wait3A] : memref<25x128xi32, #tpu.memory_space<vmem>> -> memref<1x128xi32, #tpu.memory_space<vmem>>
        %dma_wait3A_323 = tpu.memref_squeeze %dma_wait3A_322 : memref<1x128xi32, #tpu.memory_space<vmem>> -> memref<128xi32, #tpu.memory_space<vmem>>
        %dma_wait3A_324 = arith.constant 0 : i32
        %dma_wait3A_325 = arith.constant 0 : i32
        %dma_wait3A_326 = tpu.memref_slice %arg11[%dma_wait3A_324, %dma_wait3A_325] : memref<513x128xf32, #tpu.memory_space<vmem_shared>> -> memref<513x128xf32, #tpu.memory_space<vmem_shared>>
        tpu.wait_indirect_dma semaphore(%arg18 : memref<!tpu.dma_semaphore, #tpu.memory_space<semaphore_mem>>) src(%arg9 : memref<128x128xf32, #tpu.memory_space<vmem>>) dst(%dma_wait3A_326 : memref<513x128xf32, #tpu.memory_space<vmem_shared>>)
      } else {
      }
      %add3A_299 = arith.constant 3 : i32
      %add3A_300 = arith.addi %add3A_80, %add3A_299 : i32
      %mul3A_301 = arith.constant 25 : i32
      %mul3A_302 = arith.muli %add3A, %mul3A_301 : i32
      %add3A_303 = arith.addi %mul3A_302, %add3A_300 : i32
      %mul3A_304 = arith.constant 128 : i32
      %mul3A_305 = arith.muli %add3A_303, %mul3A_304 : i32
      %lt3A_306 = arith.constant 25 : i32
      %lt3A_307 = arith.cmpi slt, %add3A_300, %lt3A_306 : i32
      %lt3A_308 = arith.constant 781 : i32
      %lt3A_309 = arith.cmpi slt, %add3A_303, %lt3A_308 : i32
      %and3A_310 = arith.andi %lt3A_307, %lt3A_309 : i1
      %convert_element_type3A_311 = arith.extui %and3A_310 : i1 to i32
      %cond3A_312 = arith.constant 0 : i32
      %cond3A_313 = arith.cmpi ne, %convert_element_type3A_311, %cond3A_312 : i32
      scf.if %cond3A_313 {
        %dma_start3A = arith.constant 0 : i32
        %dma_start3A_322 = tpu.memref_slice %arg2[%mul3A_305, %dma_start3A] : memref<100000x128xf32, #tpu.memory_space<hbm>> -> memref<128x128xf32, #tpu.memory_space<hbm>>
        %dma_start3A_323 = arith.constant 0 : i32
        %dma_start3A_324 = tpu.memref_slice %arg2[%mul3A_305, %dma_start3A_323] : memref<100000x128xf32, #tpu.memory_space<hbm>> -> memref<128x128xf32, #tpu.memory_space<hbm>>
        tpu.enqueue_dma source(%dma_start3A_324 : memref<128x128xf32, #tpu.memory_space<hbm>>) target(%arg9 : memref<128x128xf32, #tpu.memory_space<vmem>>) target_semaphore(%arg14 : memref<!tpu.dma_semaphore, #tpu.memory_space<semaphore_mem>>)
      } else {
      }
      %lt3A_314 = arith.constant 25 : i32
      %lt3A_315 = arith.cmpi slt, %add3A_300, %lt3A_314 : i32
      %eq3A_316 = arith.constant 781 : i32
      %eq3A_317 = arith.cmpi eq, %add3A_303, %eq3A_316 : i32
      %and3A_318 = arith.andi %lt3A_315, %eq3A_317 : i1
      %convert_element_type3A_319 = arith.extui %and3A_318 : i1 to i32
      %cond3A_320 = arith.constant 0 : i32
      %cond3A_321 = arith.cmpi ne, %convert_element_type3A_319, %cond3A_320 : i32
      scf.if %cond3A_321 {
        %dma_start3A = arith.constant 0 : i32
        %dma_start3A_322 = arith.constant 0 : i32
        %dma_start3A_323 = tpu.memref_slice %arg9[%dma_start3A, %dma_start3A_322] : memref<128x128xf32, #tpu.memory_space<vmem>> -> memref<32x128xf32, #tpu.memory_space<vmem>>
        %dma_start3A_324 = arith.constant 0 : i32
        %dma_start3A_325 = tpu.memref_slice %arg2[%mul3A_305, %dma_start3A_324] : memref<100000x128xf32, #tpu.memory_space<hbm>> -> memref<32x128xf32, #tpu.memory_space<hbm>>
        %dma_start3A_326 = arith.constant 0 : i32
        %dma_start3A_327 = arith.constant 0 : i32
        %dma_start3A_328 = tpu.memref_slice %arg9[%dma_start3A_326, %dma_start3A_327] : memref<128x128xf32, #tpu.memory_space<vmem>> -> memref<32x128xf32, #tpu.memory_space<vmem>>
        %dma_start3A_329 = arith.constant 0 : i32
        %dma_start3A_330 = tpu.memref_slice %arg2[%mul3A_305, %dma_start3A_329] : memref<100000x128xf32, #tpu.memory_space<hbm>> -> memref<32x128xf32, #tpu.memory_space<hbm>>
        tpu.enqueue_dma source(%dma_start3A_330 : memref<32x128xf32, #tpu.memory_space<hbm>>) target(%dma_start3A_328 : memref<32x128xf32, #tpu.memory_space<vmem>>) target_semaphore(%arg14 : memref<!tpu.dma_semaphore, #tpu.memory_space<semaphore_mem>>)
      } else {
      }
    }
    %scan3A_61 = arith.constant 13 : i32
    %scan3A_62 = arith.constant 0 : i32
    %scan3A_63 = arith.constant 25 : i32
    %scan3A_64 = arith.addi %scan3A_62, %scan3A_63 : i32
    %scan3A_65 = arith.constant 1 : i32
    scf.for %scan3A_76 = %scan3A_62 to %scan3A_64 step %scan3A_65  : i32 {
      %mul3A_77 = arith.constant 1 : i32
      %mul3A_78 = arith.muli %scan3A_76, %mul3A_77 : i32
      %add3A_79 = arith.constant 0 : i32
      %add3A_80 = arith.addi %add3A_79, %mul3A_78 : i32
      %mul3A_81 = arith.constant 25 : i32
      %mul3A_82 = arith.muli %add3A, %mul3A_81 : i32
      %add3A_83 = arith.addi %mul3A_82, %add3A_80 : i32
      %lt3A_84 = arith.constant 25 : i32
      %lt3A_85 = arith.cmpi slt, %add3A_80, %lt3A_84 : i32
      %le3A = arith.constant 781 : i32
      %le3A_86 = arith.cmpi sle, %add3A_83, %le3A : i32
      %and3A_87 = arith.andi %lt3A_85, %le3A_86 : i1
      %convert_element_type3A_88 = arith.extui %and3A_87 : i1 to i32
      %cond3A_89 = arith.constant 0 : i32
      %cond3A_90 = arith.cmpi ne, %convert_element_type3A_88, %cond3A_89 : i32
      scf.if %cond3A_90 {
        %dma_wait3A = arith.constant 0 : i32
        %dma_wait3A_91 = tpu.memref_slice %arg7[%add3A_80, %dma_wait3A] : memref<25x128xi32, #tpu.memory_space<vmem>> -> memref<1x128xi32, #tpu.memory_space<vmem>>
        %dma_wait3A_92 = tpu.memref_squeeze %dma_wait3A_91 : memref<1x128xi32, #tpu.memory_space<vmem>> -> memref<128xi32, #tpu.memory_space<vmem>>
        %dma_wait3A_93 = arith.constant 0 : i32
        %dma_wait3A_94 = arith.constant 0 : i32
        %dma_wait3A_95 = tpu.memref_slice %arg12[%dma_wait3A_93, %dma_wait3A_94] : memref<513x128xf32, #tpu.memory_space<vmem_shared>> -> memref<513x128xf32, #tpu.memory_space<vmem_shared>>
        tpu.wait_indirect_dma semaphore(%arg19 : memref<!tpu.dma_semaphore, #tpu.memory_space<semaphore_mem>>) src(%arg10 : memref<128x128xf32, #tpu.memory_space<vmem>>) dst(%dma_wait3A_95 : memref<513x128xf32, #tpu.memory_space<vmem_shared>>)
      } else {
      }
    }
    %scan3A_66 = arith.constant 25 : i32
    %barrier3A_67 = arith.constant 0 : index
    tpu.barrier barrier_id(%barrier3A_67)
    %mul3A_68 = arith.constant 32 : i32
    %mul3A_69 = arith.muli %mul3A_68, %arg1 : i32
    %mul3A_70 = arith.constant 32 : i32
    %mul3A_71 = arith.muli %mul3A_70, %arg1 : i32
    "tpu.region"() ({
      %run_scoped3A = tpu.sem_alloc : memref<!tpu.dma_semaphore, #tpu.memory_space<semaphore_mem>>
      %dma_start3A = arith.constant 0 : i32
      %dma_start3A_76 = tpu.memref_slice %arg4[%arg0, %mul3A_71, %dma_start3A] : memref<2x512x128xf32, #tpu.memory_space<hbm>> -> memref<1x32x128xf32, #tpu.memory_space<hbm>>
      %dma_start3A_77 = tpu.memref_squeeze %dma_start3A_76 : memref<1x32x128xf32, #tpu.memory_space<hbm>> -> memref<32x128xf32, #tpu.memory_space<hbm>>
      %dma_start3A_78 = arith.constant 0 : i32
      %dma_start3A_79 = tpu.memref_slice %arg11[%mul3A_69, %dma_start3A_78] : memref<513x128xf32, #tpu.memory_space<vmem_shared>> -> memref<32x128xf32, #tpu.memory_space<vmem_shared>>
      tpu.enqueue_dma source(%dma_start3A_79 : memref<32x128xf32, #tpu.memory_space<vmem_shared>>) target(%dma_start3A_77 : memref<32x128xf32, #tpu.memory_space<hbm>>) target_semaphore(%run_scoped3A : memref<!tpu.dma_semaphore, #tpu.memory_space<semaphore_mem>>)
      %dma_wait3A = arith.constant 0 : i32
      %dma_wait3A_80 = tpu.memref_slice %arg4[%arg0, %mul3A_71, %dma_wait3A] : memref<2x512x128xf32, #tpu.memory_space<hbm>> -> memref<1x32x128xf32, #tpu.memory_space<hbm>>
      %dma_wait3A_81 = tpu.memref_squeeze %dma_wait3A_80 : memref<1x32x128xf32, #tpu.memory_space<hbm>> -> memref<32x128xf32, #tpu.memory_space<hbm>>
      %dma_wait3A_82 = arith.constant 0 : i32
      %dma_wait3A_83 = tpu.memref_slice %arg11[%mul3A_69, %dma_wait3A_82] : memref<513x128xf32, #tpu.memory_space<vmem_shared>> -> memref<32x128xf32, #tpu.memory_space<vmem_shared>>
      tpu.wait_dma2 semaphore(%run_scoped3A : memref<!tpu.dma_semaphore, #tpu.memory_space<semaphore_mem>>) src(%dma_wait3A_83 : memref<32x128xf32, #tpu.memory_space<vmem_shared>>) dst(%dma_wait3A_81 : memref<32x128xf32, #tpu.memory_space<hbm>>)
      tpu.yield
    }) : () -> ()
    %mul3A_72 = arith.constant 32 : i32
    %mul3A_73 = arith.muli %mul3A_72, %arg1 : i32
    %mul3A_74 = arith.constant 32 : i32
    %mul3A_75 = arith.muli %mul3A_74, %arg1 : i32
    "tpu.region"() ({
      %run_scoped3A = tpu.sem_alloc : memref<!tpu.dma_semaphore, #tpu.memory_space<semaphore_mem>>
      %dma_start3A = arith.constant 0 : i32
      %dma_start3A_76 = tpu.memref_slice %arg5[%arg0, %mul3A_75, %dma_start3A] : memref<2x512x128xf32, #tpu.memory_space<hbm>> -> memref<1x32x128xf32, #tpu.memory_space<hbm>>
      %dma_start3A_77 = tpu.memref_squeeze %dma_start3A_76 : memref<1x32x128xf32, #tpu.memory_space<hbm>> -> memref<32x128xf32, #tpu.memory_space<hbm>>
      %dma_start3A_78 = arith.constant 0 : i32
      %dma_start3A_79 = tpu.memref_slice %arg12[%mul3A_73, %dma_start3A_78] : memref<513x128xf32, #tpu.memory_space<vmem_shared>> -> memref<32x128xf32, #tpu.memory_space<vmem_shared>>
      tpu.enqueue_dma source(%dma_start3A_79 : memref<32x128xf32, #tpu.memory_space<vmem_shared>>) target(%dma_start3A_77 : memref<32x128xf32, #tpu.memory_space<hbm>>) target_semaphore(%run_scoped3A : memref<!tpu.dma_semaphore, #tpu.memory_space<semaphore_mem>>)
      %dma_wait3A = arith.constant 0 : i32
      %dma_wait3A_80 = tpu.memref_slice %arg5[%arg0, %mul3A_75, %dma_wait3A] : memref<2x512x128xf32, #tpu.memory_space<hbm>> -> memref<1x32x128xf32, #tpu.memory_space<hbm>>
      %dma_wait3A_81 = tpu.memref_squeeze %dma_wait3A_80 : memref<1x32x128xf32, #tpu.memory_space<hbm>> -> memref<32x128xf32, #tpu.memory_space<hbm>>
      %dma_wait3A_82 = arith.constant 0 : i32
      %dma_wait3A_83 = tpu.memref_slice %arg12[%mul3A_73, %dma_wait3A_82] : memref<513x128xf32, #tpu.memory_space<vmem_shared>> -> memref<32x128xf32, #tpu.memory_space<vmem_shared>>
      tpu.wait_dma2 semaphore(%run_scoped3A : memref<!tpu.dma_semaphore, #tpu.memory_space<semaphore_mem>>) src(%dma_wait3A_83 : memref<32x128xf32, #tpu.memory_space<vmem_shared>>) dst(%dma_wait3A_81 : memref<32x128xf32, #tpu.memory_space<hbm>>)
      tpu.yield
    }) : () -> ()
    return
  }
}

</mosaic_0001>

<sc_bundles>
// kernel: _seg_sum.3.cloned.1.call-start
scs
__scs_entry_jumppad:
0x0: {  	(pc) =	sbr.rel $0x88, $3  }
0x1: {  	(tag) =	ssettag $0x0;
	lr =	simm.s32 $0x1  }
0x2: {  	[smem:$0x3F9F] =	sst lr;
	_ =	strace $0xD0000000  }
0x3: {  	_ = 	snop  }
0x4: {  	_ = 	snop  }
0x5: {  	_ = 	snop  }
0x6: {  	_ = 	snop  }
0x7: {  	_ = 	snop  }
__scs_overlays_trampoline_lowered:
0x8: {  	[smem:$0x3FAE] =	sst s0  }
0x9: {  	[smem:$0x3FAF] =	sst s1  }
0xa: {  	[smem:$0x3FB0] =	sst s2  }
0xb: {  	[smem:$0x3FB1] =	sst s3  }
0xc: {  	[smem:$0x3FB2] =	sst s4  }
0xd: {  	[smem:$0x3FB3] =	sst s5  }
0xe: {  	[smem:$0x3FB4] =	sst s6  }
0xf: {  	[smem:$0x3FB5] =	sst s7  }
0x10: {  	[smem:$0x3FB6] =	sst s8  }
0x11: {  	[smem:$0x3FB7] =	sst s9;
	s0 =	simm.s32 @!p0 $0x0  }
0x12: {  	s1 =	sld [smem:$0x3F9D];
	s0 =	simm.s32 @p0 $0x1  }
0x13: {  	[smem:$0x3FB8] =	sst s0;
	s0 =	simm.s32 @!p1 $0x0  }
0x14: {  	s2 =	sld [smem:$0x3F9C];
	s0 =	simm.s32 @p1 $0x1  }
0x15: {  	[smem:$0x3FB9] =	sst s0;
	s0 =	simm.s32 @!p2 $0x0  }
0x16: {  	s3 =	sld [smem:$0x3FDB];
	s0 =	simm.s32 @p2 $0x1  }
0x17: {  	s4 =	simm.s32 $0x1BF5;
	[smem:$0x3FBB] =	sst s0  }
0x18: {  	s0 =	sld [smem:$0x3F9E];
	_ =	swait.ge [sflag:s4], $0x0  }
0x19: {  	s7 =	sld [smem:$0x3F9F]  }
0x1a: {  	s8 =	sadd.s32 $0xFFFFE003, lr  }
0x1b: {  	s9 =	sadd.s32 $0xFFFFFEF7, lr;
	s5 =	simm.s32 $0xFFFFFFFF;
	p2 =	slt.u32 s8, $0xFFFFF086  }
0x1c: {  	p1 =	slt.u32 s9, $0xF7A;
	s5 =	simm.s32 @!p2 $0x0  }
0x1d: {  	s5 =	simm.s32 @p1 $0x1;
	p0 =	seq.s32 s7, s2  }
0x1e: {  	s7 =	smul.u32 @!p0 $0xF7A, s2;
	p2 =	seq.s32 @!p0 s5, $0x0  }
0x1f: {  	s9 =	smul.u32 $0xF7A, s1;
	s8 =	simm.s32 @!p0 $0x1BF5;
	p2 =	por !p2, p0  }
0x20: {  	[sflag:s8] =	ssyncset.s32 @!p0 $0xFFFFF086;
	s6 =	sadd.s32 @!p0 s3, s7;
	s7 =	simm.s32 @!p0 $0x108  }
0x21: {  	s3 =	sadd.s32 s3, s9;
	s6 =	sadd.s32 @!p0 $0x88, s6;
	s7 =	simm.s32 @p2 $0x1082  }
0x22: {  	[simem:s7], [sflag:s8] =	dma.local @!p0 [hbm:s6], $0xF7A  }
0x23: {  	s9 =	sor.u32 $0xD0000000, s2;
	s6 =	simm.s32 $0x108;
	_ =	swait.ge @!p0 [sflag:s8], $0x0  }
0x24: {  	s3 =	sadd.s32 $0x88, s3;
	s6 =	simm.s32 @!p1 $0x1082;
	[sflag:s4] =	ssyncset.s32 $0xFFFFF086  }
0x25: {  	[simem:s6], [sflag:s4] =	dma.local [hbm:s3], $0xF7A  }
0x26: {  	[smem:$0x3F9F] =	sst s1;
	(tag) =	ssettag s2;
	_ =	strace s9  }
0x27: {  	s1 =	sld [smem:$0x3FAF]  }
0x28: {  	s2 =	sld [smem:$0x3FB0]  }
0x29: {  	s4 =	sld [smem:$0x3FB2]  }
0x2a: {  	p0 =	seq.s32 s5, $0x0;
	s5 =	sld [smem:$0x3FB3]  }
0x2b: {  	s6 =	sld [smem:$0x3FB4]  }
0x2c: {  	s7 =	sld [smem:$0x3FB5]  }
0x2d: {  	s3 =	simm.s32 $0x108;
	s8 =	sld [smem:$0x3FB6]  }
0x2e: {  	s3 =	simm.s32 @!p0 $0x1082;
	s9 =	sld [smem:$0x3FB7]  }
0x2f: {  	lr =	sadd.s32 s0, s3;
	s0 =	sld [smem:$0x3FAE]  }
0x30: {  	s3 =	sld [smem:$0x3FB1]  }
0x31: {  	[smem:$0x3FBA] =	sst s10  }
0x32: {  	s10 =	sld [smem:$0x3FB8];
	_ =	sdelay $0x3  }
0x33: {  	p0 =	seq.s32 s10, $0x1;
	s10 =	sld [smem:$0x3FBA];
	_ =	sdelay $0x3  }
0x34: {  	[smem:$0x3FBA] =	sst s10  }
0x35: {  	s10 =	sld [smem:$0x3FB9];
	_ =	sdelay $0x3  }
0x36: {  	p1 =	seq.s32 s10, $0x1;
	s10 =	sld [smem:$0x3FBA];
	_ =	sdelay $0x3  }
0x37: {  	[smem:$0x3FBA] =	sst s10  }
0x38: {  	s10 =	sld [smem:$0x3FBB]  }
0x39: {  	_ = 	snop;
	(pc) =	sbr.ind lr, $3  }
0x3a: {  	_ = 	snop  }
0x3b: {  	_ = 	snop  }
0x3c: {  	p2 =	seq.s32 s10, $0x1;
	s10 =	sld [smem:$0x3FBA]  }
0x3d: {  	_ =	shalt  }
0x3e: {  	_ =	shalt  }
0x3f: {  	_ =	shalt  }
0x40: {  	_ =	shalt  }
0x41: {  	_ =	shalt  }
0x42: {  	_ =	shalt  }
0x43: {  	_ =	shalt  }
0x44: {  	_ =	shalt  }
0x45: {  	_ =	shalt  }
0x46: {  	_ =	shalt  }
0x47: {  	_ =	shalt  }
0x48: {  	_ =	shalt  }
0x49: {  	_ =	shalt  }
0x4a: {  	_ =	shalt  }
0x4b: {  	_ =	shalt  }
0x4c: {  	_ =	shalt  }
0x4d: {  	_ =	shalt  }
0x4e: {  	_ =	shalt  }
0x4f: {  	_ =	shalt  }
0x50: {  	_ =	shalt  }
0x51: {  	_ =	shalt  }
0x52: {  	_ =	shalt  }
0x53: {  	_ =	shalt  }
0x54: {  	_ =	shalt  }
0x55: {  	_ =	shalt  }
0x56: {  	_ =	shalt  }
0x57: {  	_ =	shalt  }
0x58: {  	_ =	shalt  }
0x59: {  	_ =	shalt  }
0x5a: {  	_ =	shalt  }
0x5b: {  	_ =	shalt  }
0x5c: {  	_ =	shalt  }
0x5d: {  	_ =	shalt  }
0x5e: {  	_ =	shalt  }
0x5f: {  	_ =	shalt  }
0x60: {  	_ =	shalt  }
0x61: {  	_ =	shalt  }
0x62: {  	_ =	shalt  }
0x63: {  	_ =	shalt  }
0x64: {  	_ =	shalt  }
0x65: {  	_ =	shalt  }
0x66: {  	_ =	shalt  }
0x67: {  	_ =	shalt  }
0x68: {  	_ =	shalt  }
0x69: {  	_ =	shalt  }
0x6a: {  	_ =	shalt  }
0x6b: {  	_ =	shalt  }
0x6c: {  	_ =	shalt  }
0x6d: {  	_ =	shalt  }
0x6e: {  	_ =	shalt  }
0x6f: {  	_ =	shalt  }
0x70: {  	_ =	shalt  }
0x71: {  	_ =	shalt  }
0x72: {  	_ =	shalt  }
0x73: {  	_ =	shalt  }
0x74: {  	_ =	shalt  }
0x75: {  	_ =	shalt  }
0x76: {  	_ =	shalt  }
0x77: {  	_ =	shalt  }
0x78: {  	_ =	shalt  }
0x79: {  	_ =	shalt  }
0x7a: {  	_ =	shalt  }
0x7b: {  	_ =	shalt  }
0x7c: {  	_ =	shalt  }
0x7d: {  	_ =	shalt  }
0x7e: {  	_ =	shalt  }
0x7f: {  	_ =	shalt  }
0x80: {  	_ =	shalt  }
0x81: {  	_ =	shalt  }
0x82: {  	_ =	shalt  }
0x83: {  	_ =	shalt  }
0x84: {  	_ =	shalt  }
0x85: {  	_ =	shalt  }
0x86: {  	_ =	shalt  }
0x87: {  	_ =	shalt  }
.Lfunc_end0:
.L_simem_size_0:
called_computation_lowered:
.L_overlay_start_0:
0x88: {  	s2 =	sld [smem:$0x3FD9]  }
0x89: {  	s3 =	sld [smem:$0x3FFE];
	_ =	sdelay $0x1  }
0x8a: {  	s1 =	srdreg.scid  }
0x8b: {  	s0 =	sand.u32 $0x1, s1  }
0x8c: {  	s14 =	sshll.u32 s0, $0xA;
	s2 =	sadd.s32 s3, s2  }
0x8d: {  	s2 =	sadd.s32 s2, s14  }
0x8e: {  	[smem:$0x3FC6] =	sst s2  }
0x8f: {  	_ = 	snop  }
0x90: {  	s2 =	sld [smem:$0x3FD0];
	_ =	sdelay $0x2  }
0x91: {  	s4 =	simm.s32 $0xA;
	s5 =	simm.s32 $0x10;
	s15 =	sld [smem:$0x3FC9]  }
0x92: {  	[smem:s5], [sflag:s4] =	dma.local [hbm:s2], $0x1  }
0x93: {  	_ =	swait.eq [sflag:s4], $0x1  }
0x94: {  	s16 =	sld [smem:$0x10];
	[sflag:s4] =	ssyncset.done $0x0  }
0x95: {  	s17 =	sld [smem:$0x11];
	[sflag:s4] =	ssyncadd.s32 $0xFFFFFFFF  }
0x96: {  	s18 =	sld [smem:$0x12];
	(tm) =	ssettm $0x1  }
0x97: {  	s6 =	sld [smem:$0x3FFB];
	_ =	sdelay $0x3  }
0x98: {  	_ =	strace s6  }
0x99: {  	s6 =	sld [smem:$0x3FFC];
	_ =	sdelay $0x3  }
0x9a: {  	_ =	strace s6  }
0x9b: {  	s6 =	sld [smem:$0x3FFD];
	_ =	sdelay $0x3  }
0x9c: {  	_ =	strace s6  }
0x9d: {  	_ =	strace $0x8FFFFFFF  }
0x9e: {  	s19 =	sld [smem:$0x3FDB];
	_ =	sdelay $0x1  }
0x9f: {  	s7 =	simm.s32 $_scs_section_size  }
0xa0: {  	s8 =	simm.s32 $_size__tile_overlayer_lowered;
	s9 =	simm.s32 $_tile_overlayer_lowered  }
0xa1: {  	s22 =	simm.s32 $0x1BFF;
	s21 =	sshll.u32 s9, $0x1;
	s6 =	sadd.s32 s7, s19  }
0xa2: {  	s10 =	simm.s32 $0x0;
	s20 =	sshll.u32 s8, $0x1;
	s8 =	sadd.s32 s21, s6  }
0xa3: {  	[timem:s10], [sflag:s22] =	dma.local [hbm:s8], s20  }
0xa4: {  	_ =	swait.ge [sflag:s22], s20  }
0xa5: {  	s7 =	ssub.s32 $0x0, s20;
	[sflag:s22] =	ssyncset.done $0x0  }
0xa6: {  	[sflag:s22] =	ssyncadd.s32 s7;
	_ =	sdelay $0x1  }
0xa7: {  	s23 =	simm.s32 $0x1B8B  }
0xa8: {  	_ =	swait.ge [sflag:s23], $0x1  }
0xa9: {  	[sflag:s23] =	ssyncset.done $0x0  }
0xaa: {  	s25 =	simm.s32 $0x1B8E;
	s24 =	sld [smem:$0x3FFE];
	[sflag:s23] =	ssyncadd.s32 $0xFFFFFFFF  }
0xab: {  	s26 =	simm.s32 $execute0_lowered;
	[smem:$0x3FD2] =	sst s25  }
0xac: {  	s8 =	sshll.u32 s26, $0x1;
	_ =	strace $0x80000046;
	[dreg:$0x1] =	wrdreg $0xFFFFFFFF  }
0xad: {  	s28 =	simm.s32 $_size_execute0_lowered;
	s6 =	sadd.s32 s6, s8;
	[dreg:$0x0] =	wrdreg $0x0  }
0xae: {  	s8 =	sshll.u32 s28, $0x1;
	[dreg:$0x2] =	wrdreg s6  }
0xaf: {  	[dreg:$0x3] =	wrdreg s8  }
0xb0: {  	[dreg:$0x4] =	wrdreg $0xC0  }
0xb1: {  	_ =	task [dreg:s10], $0x5FFFF  }
0xb2: {  	[dreg:$0x1] =	wrdreg $0xFFFFFFFF  }
0xb3: {  	[dreg:$0x0] =	wrdreg $0x60  }
0xb4: {  	[dreg:$0x2] =	wrdreg s15  }
0xb5: {  	[dreg:$0x3] =	wrdreg s24  }
0xb6: {  	[dreg:$0x4] =	wrdreg s16  }
0xb7: {  	[dreg:$0x5] =	wrdreg s17  }
0xb8: {  	[dreg:$0x6] =	wrdreg s18  }
0xb9: {  	[dreg:$0x7] =	wrdreg $0xD0000  }
0xba: {  	[dreg:$0x8] =	wrdreg $0xE0080  }
0xbb: {  	[dreg:$0x9] =	wrdreg $0x9  }
0xbc: {  	_ =	task.clear_ibuf [dreg:s10], $0xAFFFF;
	_ =	strace $0x90000046  }
0xbd: {  	s29 =	simm.s32 $0x9;
	_ =	strace $0x80000048  }
0xbe: {  	_ =	swait.ge [sflag:s29], $0x1  }
0xbf: {  	[sflag:s29] =	ssyncadd.s32 $0xFFFFFFFF  }
0xc0: {  	_ =	strace $0x90000048  }
0xc1: {  	_ =	sfence  }
0xc2: {  	s30 =	sld [smem:$0x0];
	_ =	sdelay $0x2  }
0xc3: {  	s31 =	sshll.u32 s1, $0xD;
	s1 =	sshrl.u32 s1, $0x2  }
0xc4: {  	s3 =	sand.u32 $0x4000, s31;
	s1 =	sadd.s32 s1, s30  }
0xc5: {  	s0 =	sor.u32 s3, s0;
	s1 =	sshll.u32 s1, $0x11  }
0xc6: {  	s0 =	sor.u32 s1, s0  }
0xc7: {  	s0 =	sadd.s32 $0x8F2B, s0  }
0xc8: {  	[sflag:s0] =	ssyncadd.remote.s32 $0x1  }
0xc9: {  	_ =	sfence.sel $0xFFFF  }
0xca: {  	[dreg:$0x0] =	wrdreg $0xFFFFFFFF;
	(pc) =	sbr.abs _section_cstart, $3  }
0xcb: {  	[dreg:$0x1] =	wrdreg $0xFFFFFFFF  }
0xcc: {  	_ =	task.clear_ibuf [dreg:s10], $0x2FFFF;
	_ =	strace $0x9FFFFFFF  }
0xcd: {  	(tm) =	ssettm $0x7FFFFFFF  }
tec
execute0_lowered:
.L_overlay_start_1:
0x0: {  	(tag) =	ssettag $0x1  }
0x1: {  	s1 =	rddreg [dreg:$0x0]  }
0x2: {  	s2 =	rddreg [dreg:$0x1]  }
0x3: {  	s7 =	rddreg [dreg:$0x2]  }
0x4: {  	s8 =	rddreg [dreg:$0x3]  }
0x5: {  	s20 =	rddreg [dreg:$0x4]  }
0x6: {  	s0 =	rddreg [dreg:$0x5];
	s4 =	srdreg.scid  }
0x7: {  	s11 =	stileid.u32;
	s3 =	rddreg [dreg:$0x6];
	s23 =	simm.s32 $0x5000  }
0x8: {  	s24 =	simm.s32 $0x1;
	s28 =	simm.s32 $0x0;
	s17 =	sand.u32 $0x1, s4  }
0x9: {  	s5 =	sshll.u32 s11, $0x1;
	s4 =	simm.s32 $0x0;
	s13 =	sshll.u32 s11, $0xC  }
0xa: {  	s26 =	sadd.s32 $0x10000, s0;
	s29 =	sadd.s32 $0x10000, s3;
	s21 =	smul.u32 $0x19000, s11  }
0xb: {  	s12 =	sadd.s32 $0x186800, s20;
	s19 =	smul.u32 $0x32, s11;
	p0 =	sne.s32 s11, $0x0  }
0xc: {  	s5 =	sor.u32 s17, s5;
	[smem:$0x7FF] =	sst s4;
	s22 =	smul.u32 $0x19, s17  }
0xd: {  	s9 =	ssub.s32 $0x2, s17;
	s31 =	sshll.u32 s17, $0x10;
	s17 =	smul.u32 $0xC800, s17  }
0xe: {  	s6 =	sshll.u32 s5, $0x9;
	_ =	strace $0x80000047;
	s25 =	sshrl.u32 s9, $0x1  }
0xf: {  	s10 =	smul.u32 $0xC800, s5;
	s5 =	sadd.s32 s13, s0;
	[dreg:$0x8] =	wrdreg s26  }
0x10: {  	[dreg:$0x9] =	wrdreg s29;
	s18 =	sadd.s32 s21, s1;
	s20 =	sadd.s32 s21, s20  }
0x11: {  	s21 =	simm.s32 $0x1000;
	s26 =	simm.s32 $0x9000;
	s2 =	sadd.s32 s6, s2  }
0x12: {  	s16 =	ssub.s32 s9, s25;
	s2 =	sadd.s32 $0x600, s2;
	s30 =	sadd.s32 s1, s10  }
0x13: {  	s6 =	sadd.s32 s13, s3;
	[dreg:$0xa] =	wrdreg s2;
	s2 =	sadd.s32 $0x800, s30  }
0x14: {  	s19 =	sadd.s32 s22, s19;
	s22 =	simm.s32 $0x8;
	[dreg:$0xc] =	wrdreg s2  }
0x15: {  	s2 =	sor.u32 s13, s31;
	s13 =	sadd.s32 $0x186800, s1;
	s1 =	simm.s32 @!p0 $0x0  }
0x16: {  	[dreg:$0xb] =	wrdreg s30;
	s2 =	sshrl.u32 s2, $0x3;
	s1 =	simm.s32 @p0 $0x1  }
0x17: {  	s25 =	simm.s32 $0x80;
	s7 =	sadd.s32 s7, s2;
	[smem:$0x7FD] =	sst s1  }
0x18: {  	v0 =	vimm.f32 $0.0e+00;
	v1 =	vimm.f32 $1.000000000e+00;
	s16 =	smax.u32 s16, $0x1;
	s15 =	sadd.s32 s8, s2;
	[dreg:$0xd] =	wrdreg s7  }
.LBB2_1:
0x19: {  	s1 =	simm.s32 $0x0;
	s2 =	simm.s32 $0x200  }
.LBB2_2:
0x1a: {  	p0 =	sne.s32 s2, $0x4000;
	[tilespmem:s1+$0x1070] =	vst v0  }
0x1b: {  	[tilespmem:s1+$0x1000] =	vst v0  }
0x1c: {  	[tilespmem:s1+$0x1010] =	vst v0  }
.Ltmp0:
0x1d: {  	[tilespmem:s1+$0x1020] =	vst v0;
	(pc) =	sbr.rel @p0 .LBB2_2-.Ltmp0, $4  }
0x1e: {  	[tilespmem:s1+$0x1030] =	vst v0  }
0x1f: {  	[tilespmem:s1+$0x1040] =	vst v0  }
0x20: {  	[tilespmem:s1+$0x1050] =	vst v0  }
0x21: {  	[tilespmem:s1+$0x1060] =	vst v0;
	s1 =	sshra.s32 s2, $0x2;
	s2 =	sadd.s32 $0x200, s2  }
0x22: {  	[tilespmem:s1+$0x1070] =	vst v0  }
0x23: {  	[tilespmem:s1+$0x1000] =	vst v0  }
0x24: {  	[tilespmem:s1+$0x1010] =	vst v0  }
0x25: {  	[tilespmem:s1+$0x1020] =	vst v0  }
0x26: {  	[tilespmem:s1+$0x1030] =	vst v0  }
0x27: {  	[tilespmem:s1+$0x1040] =	vst v0  }
0x28: {  	[tilespmem:s1+$0x1050] =	vst v0  }
0x29: {  	[tilespmem:s1+$0x1060] =	vst v0;
	s1 =	simm.s32 $0x0;
	s2 =	simm.s32 $0x200  }
.LBB2_4:
0x2a: {  	p0 =	sne.s32 s2, $0xFE00;
	[tilespmem:s1+$0x9070] =	vst v1  }
0x2b: {  	[tilespmem:s1+$0x9000] =	vst v1  }
0x2c: {  	[tilespmem:s1+$0x9010] =	vst v1  }
.Ltmp1:
0x2d: {  	[tilespmem:s1+$0x9020] =	vst v1;
	(pc) =	sbr.rel @p0 .LBB2_4-.Ltmp1, $4  }
0x2e: {  	[tilespmem:s1+$0x9030] =	vst v1  }
0x2f: {  	[tilespmem:s1+$0x9040] =	vst v1  }
0x30: {  	[tilespmem:s1+$0x9050] =	vst v1  }
0x31: {  	[tilespmem:s1+$0x9060] =	vst v1;
	s1 =	sshra.s32 s2, $0x2;
	s2 =	sadd.s32 $0x200, s2  }
0x32: {  	[tilespmem:s1+$0x9070] =	vst v1  }
0x33: {  	[tilespmem:s1+$0x9000] =	vst v1  }
0x34: {  	[tilespmem:s1+$0x9010] =	vst v1  }
0x35: {  	[tilespmem:s1+$0x9020] =	vst v1  }
0x36: {  	[tilespmem:s1+$0x9030] =	vst v1  }
0x37: {  	[tilespmem:s1+$0x9040] =	vst v1  }
0x38: {  	[tilespmem:s1+$0x9050] =	vst v1  }
0x39: {  	[tilespmem:s1+$0x9060] =	vst v1  }
0x3a: {  	[spmem:s5] =	stream.linear.scatter [tilespmem:s21], [sflag:$0x8], $0x1000, $0x38;
	[tilespmem:$0xF010] =	vst v63  }
0x3b: {  	_ =	swait.ge [sflag:s22], $0x1000  }
0x3c: {  	[sflag:s22] =	ssyncset.done $0x0  }
0x3d: {  	[sflag:s22] =	ssyncadd.s32 $0xFFFFF000  }
0x3e: {  	[spmem:s6] =	stream.linear.scatter [tilespmem:s21], [sflag:$0x8], $0x1000, $0x38;
	[tilespmem:$0xF010] =	vst v63  }
0x3f: {  	_ =	swait.ge [sflag:s22], $0x1000  }
0x40: {  	s9 =	sld [smem:$0x7FD];
	_ =	sdelay $0x2  }
0x41: {  	[sflag:s22] =	ssyncset.done $0x0;
	p0 =	seq.s32 s9, $0x1  }
0x42: {  	s2 =	rddreg [dreg:$0x8];
	[sflag:s22] =	ssyncadd.s32 $0xFFFFF000;
	s1 =	simm.s32 @!p0 $0x1000  }
0x43: {  	[spmem:s2] =	stream.linear.scatter @!p0 [tilespmem:s1], [sflag:$0x8], $0x80, $0x38;
	[tilespmem:$0xF010] =	vst v63  }
0x44: {  	s2 =	simm.s32 @!p0 $0x8  }
0x45: {  	_ =	swait.ge @!p0 [sflag:s2], $0x80  }
0x46: {  	[sflag:s2] =	ssyncset.done @!p0 $0x0  }
0x47: {  	s7 =	rddreg [dreg:$0x9];
	[sflag:s2] =	ssyncadd.s32 @!p0 $0xFFFFFF80  }
0x48: {  	[spmem:s7] =	stream.linear.scatter @!p0 [tilespmem:s1], [sflag:$0x8], $0x80, $0x38;
	[tilespmem:$0xF010] =	vst v63  }
0x49: {  	_ =	swait.ge @!p0 [sflag:s2], $0x80  }
0x4a: {  	[sflag:s2] =	ssyncset.done @!p0 $0x0  }
0x4b: {  	s29 =	simm.s32 $0x0;
	s10 =	rddreg [dreg:$0xa];
	[sflag:s2] =	ssyncadd.s32 @!p0 $0xFFFFFF80  }
0x4c: {  	[tilespmem:s29], [sflag:$0x8] =	stream.linear.gather [hbm4b:s10+s29], $0xC80, $0x38;
	[tilespmem:$0xF010] =	vst v63  }
0x4d: {  	_ =	swait.ge [sflag:s22], $0xC80  }
0x4e: {  	[sflag:s22] =	ssyncset.done $0x0  }
0x4f: {  	[sflag:s22] =	ssyncadd.s32 $0xFFFFF380  }
.Ltmp2:
0x50: {  	[bflag:$0x0] =	sbarrier.arrive $0xFFFF;
	(pc) =	sbr.rel .LBB2_6-.Ltmp2, $4  }
0x51: {  	s30 =	smov.u32 s20;
	s31 =	smov.u32 s18;
	s11 =	rddreg [dreg:$0xb]  }
0x52: {  	[tilespmem:s21], [sflag:$0x1] =	stream.linear.gather [hbm4b:s11+s29], $0x4000, $0x38;
	[tilespmem:$0xF010] =	vst v63  }
0x53: {  	s1 =	simm.s32 $0x0;
	s2 =	simm.s32 $0x0;
	s14 =	rddreg [dreg:$0xc]  }
0x54: {  	[tilespmem:s23], [sflag:$0x2] =	stream.linear.gather [hbm4b:s14+s29], $0x4000, $0x38;
	[tilespmem:$0xF010] =	vst v63  }
.LBB2_15:
0x55: {  	s7 =	sadd.s32 $0xFFFFFCF6, s7  }
0x56: {  	p1 =	sne.s32 @!p0 s7, $0x0  }
0x57: {  	p0 =	por p1, p0  }
0x58: {  	s7 =	simm.s32 @!p0 $0x0;
	s8 =	simm.s32 @!p0 $0x5000  }
0x59: {  	[tilespmem:s8], [sflag:$0x2] =	stream.linear.gather @!p0 [hbm4b:s13+s7], $0x1000, $0x38;
	[tilespmem:$0xF010] =	vst v63  }
.LBB2_16:
0x5a: {  	s1 =	sadd.s32 $0x2, s1  }
0x5b: {  	p0 =	sne.s32 s1, $0x1A  }
.Ltmp3:
0x5c: {  	_ = 	snop;
	(pc) =	sbr.rel @!p0 .LBB2_17-.Ltmp3, $3  }
0x5d: {  	_ =	sdelay $0x1  }
0x5e: {  	s2 =	sadd.s32 $0x1, s2  }
0x5f: {  	s29 =	sadd.s32 $0x100, s29;
	s31 =	sadd.s32 $0x1000, s31;
	s30 =	sadd.s32 $0x1000, s30  }
.LBB2_6:
0x60: {  	s7 =	sadd.s32 s1, s19  }
0x61: {  	p0 =	slt.u32 s7, $0x30D  }
.Ltmp4:
0x62: {  	_ = 	snop;
	(pc) =	sbr.rel @p0 .LBB2_21-.Ltmp4, $2  }
0x63: {  	_ =	sdelay $0x2  }
0x64: {  	p6 =	sgt.u32 s7, $0x30C  }
0x65: {  	s8 =	sadd.s32 $0xFFFFFCF3, s7  }
0x66: {  	p0 =	seq.s32 s8, $0x0  }
.Ltmp5:
0x67: {  	_ = 	snop;
	(pc) =	sbr.rel @!p0 .LBB2_10-.Ltmp5, $2  }
0x68: {  	_ =	sdelay $0x2  }
0x69: {  	p4 =	por $0x0, $0x0;
	p2 =	por $0x0, $0x0  }
.Ltmp6:
0x6a: {  	(pc) =	sbr.rel .LBB2_9-.Ltmp6, $4  }
0x6b: {  	_ =	swait.ge [sflag:s24], $0x1000  }
0x6c: {  	[sflag:s24] =	ssyncset.done $0x0  }
0x6d: {  	[sflag:s24] =	ssyncadd.s32 $0xFFFFF000  }
0x6e: {  	[hbm4b:s12+s4] =	stream.linear.scatter [tilespmem:s21], [sflag:$0x3], $0x1000, $0x38;
	[tilespmem:$0xF010] =	vst v63  }
.LBB2_21:
0x6f: {  	_ =	swait.ge [sflag:s24], $0x4000  }
0x70: {  	[sflag:s24] =	ssyncset.done $0x0  }
0x71: {  	s8 =	sadd.s32 s30, s17;
	[sflag:s24] =	ssyncadd.s32 $0xFFFFC000  }
0x72: {  	[hbm4b:s8+s4] =	stream.linear.scatter [tilespmem:s21], [sflag:$0x3], $0x4000, $0x38;
	[tilespmem:$0xF010] =	vst v63  }
.LBB2_9:
0x73: {  	[spmem:s0] =	stream.indirect.scatter.add.f32 [tilespmem:s21], [sflag:$0x5], $0x80, s29, s25, $0xb8;
	[tilespmem:$0xF010] =	vst v63  }
0x74: {  	p4 =	por $0x1, $0x1;
	p2 =	por p6, p6  }
0x75: {  	[spmem:s3] =	stream.indirect.scatter.add.f32 [tilespmem:s26], [sflag:$0x7], $0x80, s29, s25, $0xb8;
	[tilespmem:$0xF010] =	vst v63  }
.LBB2_10:
0x76: {  	s8 =	sadd.s32 $0x1, s1;
	s9 =	sadd.s32 $0x1, s7  }
0x77: {  	p3 =	slt.u32 s8, $0x19;
	p0 =	slt.u32 s9, $0x30D  }
0x78: {  	p0 =	por !p3, !p0  }
0x79: {  	p1 =	por !p0, !p0  }
0x7a: {  	s11 =	simm.s32 @p1 $0x2;
	s10 =	simm.s32 @p1 $0x0  }
0x7b: {  	s14 =	simm.s32 @p1 $0x5000;
	p5 =	sgt.u32 @!p1 s8, $0x18;
	_ =	swait.ge @p1 [sflag:s11], $0x4000  }
0x7c: {  	s8 =	sadd.s32 $0xFFFFFCF4, s7;
	p0 =	por p5, p1;
	[sflag:s11] =	ssyncset.done @p1 $0x0  }
0x7d: {  	p0 =	seq.s32 @!p0 s8, $0x0;
	s8 =	simm.s32 @!p5 $0x0;
	[sflag:s11] =	ssyncadd.s32 @p1 $0xFFFFC000  }
0x7e: {  	s11 =	sadd.s32 @p1 s30, s17;
	s8 =	simm.s32 @p5 $0x1;
	p0 =	por @!p1 !p0, p5  }
0x7f: {  	s11 =	sadd.s32 @p1 $0x800, s11;
	[smem:$0x7FB] =	sst s8;
	s8 =	simm.s32 @!p0 $0x0  }
0x80: {  	[hbm4b:s11+s10] =	stream.linear.scatter @p1 [tilespmem:s14], [sflag:$0x4], $0x4000, $0x38;
	[tilespmem:$0xF010] =	vst v63  }
0x81: {  	s8 =	simm.s32 @p0 $0x1;
	p0 =	por p0, p1  }
0x82: {  	p5 =	slt.u32 s9, $0x30E;
	[smem:$0x7FC] =	sst s8;
	s8 =	simm.s32 @!p0 $0x2  }
0x83: {  	p3 =	por !p3, !p5;
	_ =	swait.ge @!p0 [sflag:s8], $0x1000  }
0x84: {  	p3 =	por !p3, !p3;
	[sflag:s8] =	ssyncset.done @!p0 $0x0  }
0x85: {  	s9 =	simm.s32 @!p0 $0x5000;
	[sflag:s8] =	ssyncadd.s32 @!p0 $0xFFFFF000;
	s8 =	simm.s32 @!p0 $0x0  }
0x86: {  	[hbm4b:s12+s8] =	stream.linear.scatter @!p0 [tilespmem:s9], [sflag:$0x4], $0x1000, $0x38;
	[tilespmem:$0xF010] =	vst v63  }
0x87: {  	s10 =	simm.s32 @p3 $0x5000;
	s8 =	sadd.s32 @p3 $0x80, s29;
	s9 =	simm.s32 @p3 $0x80  }
0x88: {  	[spmem:s0] =	stream.indirect.scatter.add.f32 @p3 [tilespmem:s10], [sflag:$0x6], $0x80, s8, s9, $0xb8;
	[tilespmem:$0xF010] =	vst v63  }
0x89: {  	s10 =	simm.s32 @p3 $0x9000  }
0x8a: {  	[spmem:s3] =	stream.indirect.scatter.add.f32 @p3 [tilespmem:s10], [sflag:$0x7], $0x80, s8, s9, $0xb8;
	[tilespmem:$0xF010] =	vst v63  }
0x8b: {  	s8 =	simm.s32 @!p6 $0x3  }
0x8c: {  	_ =	swait.ge @!p6 [sflag:s8], $0x4000  }
0x8d: {  	[sflag:s8] =	ssyncset.done @!p6 $0x0  }
0x8e: {  	[sflag:s8] =	ssyncadd.s32 @!p6 $0xFFFFC000;
	s8 =	simm.s32 @p2 $0x3  }
0x8f: {  	_ =	swait.ge @p2 [sflag:s8], $0x1000  }
0x90: {  	[sflag:s8] =	ssyncset.done @p2 $0x0  }
0x91: {  	s9 =	sadd.s32 $0x2, s7;
	[sflag:s8] =	ssyncadd.s32 @p2 $0xFFFFF000;
	p2 =	seq.s32 s1, $0x18  }
0x92: {  	p5 =	sgt.u32 @!p2 s9, $0x30C  }
0x93: {  	p5 =	por p2, p5  }
.Ltmp7:
0x94: {  	_ = 	snop;
	(pc) =	sbr.rel @p5 .LBB2_12-.Ltmp7, $4  }
0x95: {  	s8 =	simm.s32 @p4 $0x5  }
0x96: {  	_ =	swait.ge @p4 [sflag:s8], $0x4000  }
0x97: {  	[sflag:s8] =	ssyncset.done @p4 $0x0  }
0x98: {  	[sflag:s8] =	ssyncadd.s32 @p4 $0xFFFFC000;
	s8 =	sadd.s32 s31, s17  }
.Ltmp8:
0x99: {  	(pc) =	sbr.rel .LBB2_13-.Ltmp8, $3  }
0x9a: {  	_ =	sdelay $0x1  }
0x9b: {  	s9 =	sadd.s32 $0x1000, s8  }
0x9c: {  	[tilespmem:s21], [sflag:$0x1] =	stream.linear.gather [hbm4b:s9+s4], $0x4000, $0x38;
	[tilespmem:$0xF010] =	vst v63  }
.LBB2_12:
0x9d: {  	s9 =	sadd.s32 $0xFFFFFCF5, s7  }
0x9e: {  	p4 =	sne.s32 @!p2 s9, $0x0  }
0x9f: {  	p2 =	por p4, p2  }
0xa0: {  	s9 =	simm.s32 @!p2 $0x0;
	s10 =	simm.s32 @!p2 $0x1000  }
0xa1: {  	[tilespmem:s10], [sflag:$0x1] =	stream.linear.gather @!p2 [hbm4b:s13+s9], $0x1000, $0x38;
	[tilespmem:$0xF010] =	vst v63  }
.LBB2_13:
0xa2: {  	s9 =	sld [smem:$0x7FC]  }
0xa3: {  	s14 =	sld [smem:$0x7FB];
	_ =	sdelay $0x1  }
0xa4: {  	p2 =	por @!p1 $0x0, $0x0;
	p0 =	por @!p0 $0x1, $0x1;
	p4 =	seq.s32 s9, $0x1  }
0xa5: {  	p5 =	por @p1 $0x0, $0x0;
	p6 =	seq.s32 s14, $0x1;
	p4 =	por !p4, p1  }
0xa6: {  	s9 =	simm.s32 @p1 $0x4;
	p0 =	por @!p4 p2, p2;
	p4 =	por !p6, p1  }
0xa7: {  	s10 =	sadd.s32 $0x3, s7;
	_ =	swait.ge @p1 [sflag:s9], $0x4000;
	p0 =	por @!p4 p2, p2  }
0xa8: {  	[sflag:s9] =	ssyncset.done @p1 $0x0;
	p5 =	por @!p1 p0, p0;
	p0 =	sgt.u32 s2, $0xA  }
0xa9: {  	[sflag:s9] =	ssyncadd.s32 @p1 $0xFFFFC000;
	s9 =	simm.s32 @p5 $0x4;
	p1 =	sgt.u32 @!p0 s10, $0x30C  }
0xaa: {  	_ =	swait.ge @p5 [sflag:s9], $0x1000;
	p1 =	por p0, p1  }
.Ltmp9:
0xab: {  	[sflag:s9] =	ssyncset.done @p5 $0x0;
	(pc) =	sbr.rel @p1 .LBB2_15-.Ltmp9, $4  }
0xac: {  	[sflag:s9] =	ssyncadd.s32 @p5 $0xFFFFF000;
	s9 =	simm.s32 @p3 $0x6  }
0xad: {  	_ =	swait.ge @p3 [sflag:s9], $0x4000  }
0xae: {  	[sflag:s9] =	ssyncset.done @p3 $0x0  }
0xaf: {  	[sflag:s9] =	ssyncadd.s32 @p3 $0xFFFFC000  }
.Ltmp10:
0xb0: {  	(pc) =	sbr.rel .LBB2_16-.Ltmp10, $3  }
0xb1: {  	_ =	sdelay $0x1  }
0xb2: {  	s7 =	sadd.s32 $0x1800, s8  }
0xb3: {  	[tilespmem:s23], [sflag:$0x2] =	stream.linear.gather [hbm4b:s7+s4], $0x4000, $0x38;
	[tilespmem:$0xF010] =	vst v63  }
.LBB2_17:
0xb4: {  	s1 =	sadd.s32 $0x0, s19  }
0xb5: {  	p0 =	sgt.u32 s1, $0x30D  }
0xb6: {  	s2 =	simm.s32 @!p0 $0x7  }
0xb7: {  	_ =	swait.ge @!p0 [sflag:s2], $0x4000  }
0xb8: {  	s1 =	simm.s32 $0x1;
	[sflag:s2] =	ssyncset.done @!p0 $0x0  }
.LBB2_18:
0xb9: {  	[sflag:s2] =	ssyncadd.s32 @!p0 $0xFFFFC000;
	s2 =	smov.u32 s1;
	s1 =	sadd.s32 $0x1, s1  }
0xba: {  	p1 =	sne.s32 s1, $0x19  }
.Ltmp11:
0xbb: {  	s2 =	sadd.s32 s2, s19;
	(pc) =	sbr.rel @p1 .LBB2_18-.Ltmp11, $4  }
0xbc: {  	p0 =	sgt.u32 s2, $0x30D  }
0xbd: {  	s2 =	simm.s32 @!p0 $0x7  }
0xbe: {  	_ =	swait.ge @!p0 [sflag:s2], $0x4000  }
0xbf: {  	[sflag:s2] =	ssyncset.done @!p0 $0x0  }
0xc0: {  	[sflag:s2] =	ssyncadd.s32 @!p0 $0xFFFFC000;
	s1 =	stileid.u32  }
0xc1: {  	s1 =	sshll.u32 s1, $0x6;
	[bflag:$0x0] =	sbarrier.arrive $0xFFFF  }
0xc2: {  	s30 =	sshrl.u32 s5, $0x3;
	s1 =	sor.u32 $0x1C08, s1;
	s7 =	rddreg [dreg:$0xd]  }
0xc3: {  	[hbm:s7], [sflag:s1] =	dma.local [spmem:s30], $0x200  }
0xc4: {  	s28 =	sadd.s32 $0x1, s28;
	_ =	swait.ge [sflag:s22], $0x200  }
0xc5: {  	p0 =	sne.s32 s28, s16;
	[sflag:s22] =	ssyncset.done $0x0  }
.Ltmp12:
0xc6: {  	s31 =	sshrl.u32 s6, $0x3;
	[sflag:s22] =	ssyncadd.s32 $0xFFFFFE00;
	(pc) =	sbr.rel @p0 .LBB2_1-.Ltmp12, $4  }
0xc7: {  	[hbm:s15], [sflag:s1] =	dma.local [spmem:s31], $0x200  }
0xc8: {  	_ =	swait.ge [sflag:s22], $0x200  }
0xc9: {  	[sflag:s22] =	ssyncset.done $0x0  }
0xca: {  	[sflag:s22] =	ssyncadd.s32 $0xFFFFFE00  }
0xcb: {  	_ =	sfence.sel $0x180000  }
0xcc: {  	[bflag:$0x0] =	sbarrier.arrive $0xFFFF  }
0xcd: {  	_ =	strace $0x90000047  }
0xce: {  	[bflag:$0x2] =	sbarrier.arrive $0xFFFF  }
0xcf: {  	s1 =	sld [smem:$0x7FD];
	_ =	sdelay $0x2  }
0xd0: {  	s0 =	rddreg [dreg:$0x7];
	p0 =	seq.s32 s1, $0x1  }
0xd1: {  	s0 =	sadd.s32 @!p0 $0x100000, s0  }
0xd2: {  	[sflag:s0] =	ssyncadd.tile.s32 @!p0 $0x1;
	_ =	shalt  }
.Lfunc_end2:
_tile_overlayer_lowered:
.L_overlay_start_2:
0xd3: {  	(tag) =	ssettag $0x2  }
0xd4: {  	s0 =	rddreg [dreg:$0x0];
	s2 =	stileid.u32  }
0xd5: {  	s1 =	rddreg [dreg:$0x1];
	p0 =	sne.s32 s2, $0x0  }
0xd6: {  	s3 =	rddreg [dreg:$0x2];
	[bflag:$0x3] =	sbarrier.arrive $0xFFFF;
	s2 =	simm.s32 @!p0 $0x1C08  }
0xd7: {  	[timem:s3], [sflag:s2] =	dma.local @!p0 [hbm:s0], s1  }
0xd8: {  	s0 =	simm.s32 @!p0 $0x8  }
0xd9: {  	_ =	swait.ge @!p0 [sflag:s0], s1  }
0xda: {  	s1 =	ssub.s32 @!p0 $0x0, s1;
	[sflag:s0] =	ssyncset.done @!p0 $0x0  }
0xdb: {  	[sflag:s0] =	ssyncadd.s32 @!p0 s1  }
0xdc: {  	[bflag:$0x3] =	sbarrier.arrive $0xFFFF  }
0xdd: {  	_ =	shalt  }

</sc_bundles>
